<compile_context>
chip_gen: v7x
topology: tpu7x:2x2x1
jax: 0.10.2.dev20260603
libtpu: 0.0.44.dev20260713+nightly
codegen_flags: <defaults>
</compile_context>

<pallas_src>
import functools

import jax
import jax.numpy as jnp
from jax import lax
from jax.experimental import pallas as pl
from jax.experimental.pallas import tpu as pltpu
from jax.experimental.pallas import tpu_sc as plsc

K = 8192
D = 64
TM = 1024
KC = 2048
LANES = 128

NUM_WORKERS = 32
B_TOTAL = 16 * 576
B_PER_W = B_TOTAL // NUM_WORKERS
GCHUNK = 96


def _argmin_body(x_ref, zn_ref, e_ref, en_ref, out_ref):
    xm2 = -2.0 * x_ref[...]
    zn = zn_ref[...]
    lane = lax.broadcasted_iota(jnp.int32, (TM, LANES), 1)

    best_v = None
    best_i = None
    for c in range(K // KC):
        e_chunk = e_ref[pl.ds(c * KC, KC), :]
        en_chunk = en_ref[:, pl.ds(c * KC, KC)]
        mm2 = lax.dot_general(xm2, e_chunk,
                              dimension_numbers=(((1,), (1,)), ((), ())),
                              preferred_element_type=jnp.float32)
        dist = (zn + en_chunk) + mm2
        for g in range(KC // LANES // 4):
            cs = []
            ci = []
            for t in range(4):
                s = g * 4 + t
                cs.append(dist[:, s * LANES:(s + 1) * LANES])
                ci.append(c * KC + s * LANES + lane)
            m01 = cs[1] < cs[0]
            v01 = jnp.minimum(cs[0], cs[1])
            i01 = jnp.where(m01, ci[1], ci[0])
            m23 = cs[3] < cs[2]
            v23 = jnp.minimum(cs[2], cs[3])
            i23 = jnp.where(m23, ci[3], ci[2])
            mg = v23 < v01
            vg = jnp.minimum(v01, v23)
            ig = jnp.where(mg, i23, i01)
            if best_v is None:
                best_v, best_i = vg, ig
            else:
                mb = vg < best_v
                best_v = jnp.minimum(best_v, vg)
                best_i = jnp.where(mb, ig, best_i)

    gm = jnp.min(best_v, axis=1, keepdims=True)
    tie = best_v == gm
    masked_i = jnp.where(tie, best_i, jnp.int32(2 ** 30))
    out_ref[...] = jnp.min(masked_i, axis=1)


def _compute_indices(flat, zn, e, en):
    grid = flat.shape[0] // TM
    return pl.pallas_call(
        _argmin_body,
        grid=(grid,),
        in_specs=[
            pl.BlockSpec((TM, D), lambda i: (i, 0)),
            pl.BlockSpec((TM, 1), lambda i: (i, 0)),
            pl.BlockSpec((K, D), lambda i: (0, 0)),
            pl.BlockSpec((1, K), lambda i: (0, 0)),
        ],
        out_specs=pl.BlockSpec((TM,), lambda i: (i,)),
        out_shape=jax.ShapeDtypeStruct((flat.shape[0],), jnp.int32),
    )(flat, zn, e, en)


DPAD = 128
LSC = 16


@functools.cache
def _make_sc_gather():
    mesh = plsc.VectorSubcoreMesh(core_axis_name="c", subcore_axis_name="s")

    @functools.partial(
        pl.kernel,
        mesh=mesh,
        out_type=jax.ShapeDtypeStruct((B_TOTAL, DPAD), jnp.float32),
        scratch_types=[
            pltpu.VMEM((B_PER_W,), jnp.int32),
            pltpu.VMEM((B_PER_W, DPAD), jnp.float32),
            pltpu.SemaphoreType.DMA,
        ],
    )
    def _sc_gather(table_hbm, idx_hbm, out_hbm, idx_v, rows_v, sem):
        wid = lax.axis_index("s") * 2 + lax.axis_index("c")
        base = wid * B_PER_W
        pltpu.sync_copy(idx_hbm.at[pl.ds(base, B_PER_W)], idx_v)
        copies = []
        for ch in range(B_PER_W // GCHUNK):
            copies.append(pltpu.async_copy(
                table_hbm.at[idx_v.at[pl.ds(ch * GCHUNK, GCHUNK)]],
                rows_v.at[pl.ds(ch * GCHUNK, GCHUNK)],
                sem))
        for cp in copies:
            cp.wait()
        pltpu.sync_copy(rows_v, out_hbm.at[pl.ds(base, B_PER_W)])

    return _sc_gather


def kernel(latents, embedding_weight):
    d = embedding_weight.shape[1]
    latents_shape = latents.shape
    flat = latents.reshape(-1, d)
    zn = jnp.sum(flat ** 2, axis=1, keepdims=True)
    en = jnp.sum(embedding_weight ** 2, axis=1)

    idx = _compute_indices(flat, zn, embedding_weight, en.reshape(1, K))

    table_pad = jnp.concatenate(
        [embedding_weight, embedding_weight], axis=1)
    quant_pad = _make_sc_gather()(table_pad, idx)
    quantized = quant_pad[:, :D].reshape(latents_shape)
    return latents + lax.stop_gradient(quantized - latents)

# --- scband reference (transcript-rebuilt; emitter-appended) ---
"""Pipeline reference for scband-vector-quantizer-32100585570378 (READ-ONLY COPY).

The authoritative reference and input builder live on the scoring server;
editing this copy changes nothing except your own understanding.
"""

import jax, jax.numpy as jnp
import numpy as np

K = 8192
D = 64

def setup_inputs(seed: int = 0) -> dict:
    key = jax.random.key(seed)
    k1, k2 = jax.random.split(key)
    latents = jax.random.normal(k1, (16, 576, D), dtype=jnp.float32)
    # embedding initialized uniform(-1/K, 1/K) as in the torch module
    embedding_weight = jax.random.uniform(k2, (K, D), minval=-1.0 / K, maxval=1.0 / K, dtype=jnp.float32)
    return {"latents": latents, "embedding_weight": embedding_weight}

def reference(latents, embedding_weight):
    # eval-mode forward (EMA updates are training-only), return_loss=False
    d = embedding_weight.shape[1]
    latents_shape = latents.shape
    flat_latents = latents.reshape(-1, d)
    dist = (jnp.sum(flat_latents ** 2, axis=1, keepdims=True)
            + jnp.sum(embedding_weight ** 2, axis=1)
            - 2.0 * jnp.matmul(flat_latents, embedding_weight.T))
    encoding_inds = jnp.argmin(dist, axis=1)
    encoding_one_hot = jax.nn.one_hot(encoding_inds, embedding_weight.shape[0], dtype=flat_latents.dtype)
    quantized_latents = jnp.matmul(encoding_one_hot, embedding_weight).reshape(latents_shape)
    # straight-through estimator
    quantized_latents = latents + jax.lax.stop_gradient(quantized_latents - latents)
    return quantized_latents

if __name__ == "__main__":
    import jax
    _d = setup_inputs()
    print(jax.jit(kernel)(*tuple(_d.values())))

</pallas_src>

<mosaic_0001>
#map = affine_map<(d0, d1) -> (0, 0)>
#map1 = affine_map<(d0, d1) -> (0)>
module attributes {stable_mosaic.version = 14 : i64} {
  func.func @_sc_gather(%arg0: i32, %arg1: i32, %arg2: memref<8192x128xf32, #tpu.memory_space<hbm>>, %arg3: memref<9216xi32, #tpu.memory_space<hbm>>, %arg4: memref<9216x128xf32, #tpu.memory_space<hbm>>, %arg5: memref<288xi32, #tpu.memory_space<vmem>>, %arg6: memref<288x128xf32, #tpu.memory_space<vmem>>, %arg7: memref<!tpu.dma_semaphore, #tpu.memory_space<semaphore_mem>>) attributes {dimension_semantics = [#tpu.dimension_semantics<core_parallel>, #tpu.dimension_semantics<subcore_parallel>], iteration_bounds = array<i64: 2, 16>, scalar_prefetch = 0 : i64, scratch_operands = 3 : i64, tpu.core_type = #tpu.core_type<sc_vector_subcore>, window_params = [{transform_indices = #map}, {transform_indices = #map1}, {transform_indices = #map}]} {
    %mul3A = arith.constant 2 : i32
    %mul3A_0 = arith.muli %arg1, %mul3A : i32
    %add3A = arith.addi %mul3A_0, %arg0 : i32
    %mul3A_1 = arith.constant 288 : i32
    %mul3A_2 = arith.muli %add3A, %mul3A_1 : i32
    "tpu.region"() ({
      %run_scoped3A = tpu.sem_alloc : memref<!tpu.dma_semaphore, #tpu.memory_space<semaphore_mem>>
      %dma_start3A_49 = tpu.memref_slice %arg3[%mul3A_2] : memref<9216xi32, #tpu.memory_space<hbm>> -> memref<288xi32, #tpu.memory_space<hbm>>
      %dma_start3A_50 = tpu.memref_slice %arg3[%mul3A_2] : memref<9216xi32, #tpu.memory_space<hbm>> -> memref<288xi32, #tpu.memory_space<hbm>>
      tpu.enqueue_dma source(%dma_start3A_50 : memref<288xi32, #tpu.memory_space<hbm>>) target(%arg5 : memref<288xi32, #tpu.memory_space<vmem>>) target_semaphore(%run_scoped3A : memref<!tpu.dma_semaphore, #tpu.memory_space<semaphore_mem>>)
      %dma_wait3A_51 = tpu.memref_slice %arg3[%mul3A_2] : memref<9216xi32, #tpu.memory_space<hbm>> -> memref<288xi32, #tpu.memory_space<hbm>>
      %dma_wait3A_52 = tpu.memref_slice %arg3[%mul3A_2] : memref<9216xi32, #tpu.memory_space<hbm>> -> memref<288xi32, #tpu.memory_space<hbm>>
      tpu.wait_dma2 semaphore(%run_scoped3A : memref<!tpu.dma_semaphore, #tpu.memory_space<semaphore_mem>>) src(%dma_wait3A_52 : memref<288xi32, #tpu.memory_space<hbm>>) dst(%arg5 : memref<288xi32, #tpu.memory_space<vmem>>)
      tpu.yield
    }) : () -> ()
    %dma_start3A = arith.constant 0 : i32
    %dma_start3A_3 = arith.constant 0 : i32
    %dma_start3A_4 = tpu.memref_slice %arg6[%dma_start3A, %dma_start3A_3] : memref<288x128xf32, #tpu.memory_space<vmem>> -> memref<96x128xf32, #tpu.memory_space<vmem>>
    %dma_start3A_5 = arith.constant 0 : i32
    %dma_start3A_6 = tpu.memref_slice %arg5[%dma_start3A_5] : memref<288xi32, #tpu.memory_space<vmem>> -> memref<96xi32, #tpu.memory_space<vmem>>
    %dma_start3A_7 = arith.constant 0 : i32
    %dma_start3A_8 = arith.constant 0 : i32
    %dma_start3A_9 = tpu.memref_slice %arg2[%dma_start3A_7, %dma_start3A_8] : memref<8192x128xf32, #tpu.memory_space<hbm>> -> memref<8192x128xf32, #tpu.memory_space<hbm>>
    tpu.enqueue_indirect_dma source(%dma_start3A_9 : memref<8192x128xf32, #tpu.memory_space<hbm>>) target(%dma_start3A_4 : memref<96x128xf32, #tpu.memory_space<vmem>>) offsets(%dma_start3A_6 : memref<96xi32, #tpu.memory_space<vmem>>) semaphore(%arg7 : memref<!tpu.dma_semaphore, #tpu.memory_space<semaphore_mem>>)
    %dma_start3A_10 = arith.constant 96 : i32
    %dma_start3A_11 = arith.constant 0 : i32
    %dma_start3A_12 = tpu.memref_slice %arg6[%dma_start3A_10, %dma_start3A_11] : memref<288x128xf32, #tpu.memory_space<vmem>> -> memref<96x128xf32, #tpu.memory_space<vmem>>
    %dma_start3A_13 = arith.constant 96 : i32
    %dma_start3A_14 = tpu.memref_slice %arg5[%dma_start3A_13] : memref<288xi32, #tpu.memory_space<vmem>> -> memref<96xi32, #tpu.memory_space<vmem>>
    %dma_start3A_15 = arith.constant 0 : i32
    %dma_start3A_16 = arith.constant 0 : i32
    %dma_start3A_17 = tpu.memref_slice %arg2[%dma_start3A_15, %dma_start3A_16] : memref<8192x128xf32, #tpu.memory_space<hbm>> -> memref<8192x128xf32, #tpu.memory_space<hbm>>
    tpu.enqueue_indirect_dma source(%dma_start3A_17 : memref<8192x128xf32, #tpu.memory_space<hbm>>) target(%dma_start3A_12 : memref<96x128xf32, #tpu.memory_space<vmem>>) offsets(%dma_start3A_14 : memref<96xi32, #tpu.memory_space<vmem>>) semaphore(%arg7 : memref<!tpu.dma_semaphore, #tpu.memory_space<semaphore_mem>>)
    %dma_start3A_18 = arith.constant 192 : i32
    %dma_start3A_19 = arith.constant 0 : i32
    %dma_start3A_20 = tpu.memref_slice %arg6[%dma_start3A_18, %dma_start3A_19] : memref<288x128xf32, #tpu.memory_space<vmem>> -> memref<96x128xf32, #tpu.memory_space<vmem>>
    %dma_start3A_21 = arith.constant 192 : i32
    %dma_start3A_22 = tpu.memref_slice %arg5[%dma_start3A_21] : memref<288xi32, #tpu.memory_space<vmem>> -> memref<96xi32, #tpu.memory_space<vmem>>
    %dma_start3A_23 = arith.constant 0 : i32
    %dma_start3A_24 = arith.constant 0 : i32
    %dma_start3A_25 = tpu.memref_slice %arg2[%dma_start3A_23, %dma_start3A_24] : memref<8192x128xf32, #tpu.memory_space<hbm>> -> memref<8192x128xf32, #tpu.memory_space<hbm>>
    tpu.enqueue_indirect_dma source(%dma_start3A_25 : memref<8192x128xf32, #tpu.memory_space<hbm>>) target(%dma_start3A_20 : memref<96x128xf32, #tpu.memory_space<vmem>>) offsets(%dma_start3A_22 : memref<96xi32, #tpu.memory_space<vmem>>) semaphore(%arg7 : memref<!tpu.dma_semaphore, #tpu.memory_space<semaphore_mem>>)
    %dma_wait3A = arith.constant 0 : i32
    %dma_wait3A_26 = arith.constant 0 : i32
    %dma_wait3A_27 = tpu.memref_slice %arg6[%dma_wait3A, %dma_wait3A_26] : memref<288x128xf32, #tpu.memory_space<vmem>> -> memref<96x128xf32, #tpu.memory_space<vmem>>
    %dma_wait3A_28 = arith.constant 0 : i32
    %dma_wait3A_29 = tpu.memref_slice %arg5[%dma_wait3A_28] : memref<288xi32, #tpu.memory_space<vmem>> -> memref<96xi32, #tpu.memory_space<vmem>>
    %dma_wait3A_30 = arith.constant 0 : i32
    %dma_wait3A_31 = arith.constant 0 : i32
    %dma_wait3A_32 = tpu.memref_slice %arg2[%dma_wait3A_30, %dma_wait3A_31] : memref<8192x128xf32, #tpu.memory_space<hbm>> -> memref<8192x128xf32, #tpu.memory_space<hbm>>
    tpu.wait_indirect_dma semaphore(%arg7 : memref<!tpu.dma_semaphore, #tpu.memory_space<semaphore_mem>>) src(%dma_wait3A_32 : memref<8192x128xf32, #tpu.memory_space<hbm>>) dst(%dma_wait3A_27 : memref<96x128xf32, #tpu.memory_space<vmem>>)
    %dma_wait3A_33 = arith.constant 96 : i32
    %dma_wait3A_34 = arith.constant 0 : i32
    %dma_wait3A_35 = tpu.memref_slice %arg6[%dma_wait3A_33, %dma_wait3A_34] : memref<288x128xf32, #tpu.memory_space<vmem>> -> memref<96x128xf32, #tpu.memory_space<vmem>>
    %dma_wait3A_36 = arith.constant 96 : i32
    %dma_wait3A_37 = tpu.memref_slice %arg5[%dma_wait3A_36] : memref<288xi32, #tpu.memory_space<vmem>> -> memref<96xi32, #tpu.memory_space<vmem>>
    %dma_wait3A_38 = arith.constant 0 : i32
    %dma_wait3A_39 = arith.constant 0 : i32
    %dma_wait3A_40 = tpu.memref_slice %arg2[%dma_wait3A_38, %dma_wait3A_39] : memref<8192x128xf32, #tpu.memory_space<hbm>> -> memref<8192x128xf32, #tpu.memory_space<hbm>>
    tpu.wait_indirect_dma semaphore(%arg7 : memref<!tpu.dma_semaphore, #tpu.memory_space<semaphore_mem>>) src(%dma_wait3A_40 : memref<8192x128xf32, #tpu.memory_space<hbm>>) dst(%dma_wait3A_35 : memref<96x128xf32, #tpu.memory_space<vmem>>)
    %dma_wait3A_41 = arith.constant 192 : i32
    %dma_wait3A_42 = arith.constant 0 : i32
    %dma_wait3A_43 = tpu.memref_slice %arg6[%dma_wait3A_41, %dma_wait3A_42] : memref<288x128xf32, #tpu.memory_space<vmem>> -> memref<96x128xf32, #tpu.memory_space<vmem>>
    %dma_wait3A_44 = arith.constant 192 : i32
    %dma_wait3A_45 = tpu.memref_slice %arg5[%dma_wait3A_44] : memref<288xi32, #tpu.memory_space<vmem>> -> memref<96xi32, #tpu.memory_space<vmem>>
    %dma_wait3A_46 = arith.constant 0 : i32
    %dma_wait3A_47 = arith.constant 0 : i32
    %dma_wait3A_48 = tpu.memref_slice %arg2[%dma_wait3A_46, %dma_wait3A_47] : memref<8192x128xf32, #tpu.memory_space<hbm>> -> memref<8192x128xf32, #tpu.memory_space<hbm>>
    tpu.wait_indirect_dma semaphore(%arg7 : memref<!tpu.dma_semaphore, #tpu.memory_space<semaphore_mem>>) src(%dma_wait3A_48 : memref<8192x128xf32, #tpu.memory_space<hbm>>) dst(%dma_wait3A_43 : memref<96x128xf32, #tpu.memory_space<vmem>>)
    "tpu.region"() ({
      %run_scoped3A = tpu.sem_alloc : memref<!tpu.dma_semaphore, #tpu.memory_space<semaphore_mem>>
      %dma_start3A_49 = arith.constant 0 : i32
      %dma_start3A_50 = tpu.memref_slice %arg4[%mul3A_2, %dma_start3A_49] : memref<9216x128xf32, #tpu.memory_space<hbm>> -> memref<288x128xf32, #tpu.memory_space<hbm>>
      %dma_start3A_51 = arith.constant 0 : i32
      %dma_start3A_52 = tpu.memref_slice %arg4[%mul3A_2, %dma_start3A_51] : memref<9216x128xf32, #tpu.memory_space<hbm>> -> memref<288x128xf32, #tpu.memory_space<hbm>>
      tpu.enqueue_dma source(%arg6 : memref<288x128xf32, #tpu.memory_space<vmem>>) target(%dma_start3A_52 : memref<288x128xf32, #tpu.memory_space<hbm>>) target_semaphore(%run_scoped3A : memref<!tpu.dma_semaphore, #tpu.memory_space<semaphore_mem>>)
      %dma_wait3A_53 = arith.constant 0 : i32
      %dma_wait3A_54 = tpu.memref_slice %arg4[%mul3A_2, %dma_wait3A_53] : memref<9216x128xf32, #tpu.memory_space<hbm>> -> memref<288x128xf32, #tpu.memory_space<hbm>>
      %dma_wait3A_55 = arith.constant 0 : i32
      %dma_wait3A_56 = tpu.memref_slice %arg4[%mul3A_2, %dma_wait3A_55] : memref<9216x128xf32, #tpu.memory_space<hbm>> -> memref<288x128xf32, #tpu.memory_space<hbm>>
      tpu.wait_dma2 semaphore(%run_scoped3A : memref<!tpu.dma_semaphore, #tpu.memory_space<semaphore_mem>>) src(%arg6 : memref<288x128xf32, #tpu.memory_space<vmem>>) dst(%dma_wait3A_56 : memref<288x128xf32, #tpu.memory_space<hbm>>)
      tpu.yield
    }) : () -> ()
    return
  }
}

module attributes {stable_mosaic.version = 14 : i64} {
  func.func @_argmin_body(%arg0: i32, %arg1: memref<1024x64xf32, #tpu.memory_space<vmem>>, %arg2: memref<1024x1xf32, #tpu.memory_space<vmem>>, %arg3: memref<8192x64xf32, #tpu.memory_space<vmem>>, %arg4: memref<1x8192xf32, #tpu.memory_space<vmem>>, %arg5: memref<1024xi32, #tpu.memory_space<vmem>>) attributes {dimension_semantics = [#tpu.dimension_semantics<arbitrary>], iteration_bounds = array<i64: 9>, scalar_prefetch = 0 : i64, scratch_operands = 0 : i64, tpu.core_type = #tpu.core_type<tc>, window_params = [{transform_indices = @transform_0, window_bounds = array<i64: 1024, 64>}, {transform_indices = @transform_1, window_bounds = array<i64: 1024, 1>}, {pipeline_mode = #tpu.pipeline_mode<synchronous>, transform_indices = @transform_2, window_bounds = array<i64: 8192, 64>}, {pipeline_mode = #tpu.pipeline_mode<synchronous>, transform_indices = @transform_3, window_bounds = array<i64: 1, 8192>}, {transform_indices = @transform_4, window_bounds = array<i64: 1024>}]} {
    %get3A = arith.constant 0 : index
    %get3A_0 = arith.constant 0 : index
    %get3A_1 = vector.load %arg1[%get3A, %get3A_0] : memref<1024x64xf32, #tpu.memory_space<vmem>>, vector<1024x64xf32>
    %mul3A = arith.constant -2.000000e+00 : f32
    %mul3A_2 = vector.broadcast %mul3A : f32 to vector<1024x64xf32>
    %mul3A_3 = arith.mulf %mul3A_2, %get3A_1 : vector<1024x64xf32>
    %get3A_4 = arith.constant 0 : index
    %get3A_5 = arith.constant 0 : index
    %get3A_6 = vector.load %arg2[%get3A_4, %get3A_5] : memref<1024x1xf32, #tpu.memory_space<vmem>>, vector<1024x1xf32>
    %iota3A = tpu.iota {dimensions = array<i32: 1>} : vector<1024x128xi32>
    %get3A_7 = arith.constant 0 : index
    %get3A_8 = arith.constant 0 : index
    %get3A_9 = vector.load %arg3[%get3A_7, %get3A_8] : memref<8192x64xf32, #tpu.memory_space<vmem>>, vector<2048x64xf32>
    %get3A_10 = arith.constant 0 : index
    %get3A_11 = arith.constant 0 : index
    %get3A_12 = vector.load %arg4[%get3A_10, %get3A_11] : memref<1x8192xf32, #tpu.memory_space<vmem>>, vector<1x2048xf32>
    %dot_general3A = arith.constant dense<0.000000e+00> : vector<1024x2048xf32>
    %dot_general3A_13 = tpu.matmul %mul3A_3, %get3A_9, %dot_general3A {dimension_numbers = #tpu.dot_dimension_numbers<[1], [1], [0], [0], [0, 0, 1, 0], [], []>, transpose_lhs_hint = false} : vector<1024x64xf32>, vector<2048x64xf32>, vector<1024x2048xf32> -> vector<1024x2048xf32>
    %add3A = vector.broadcast %get3A_6 : vector<1024x1xf32> to vector<1024x2048xf32>
    %add3A_14 = vector.broadcast %get3A_12 : vector<1x2048xf32> to vector<1024x2048xf32>
    %add3A_15 = arith.addf %add3A, %add3A_14 : vector<1024x2048xf32>
    %add3A_16 = arith.addf %add3A_15, %dot_general3A_13 : vector<1024x2048xf32>
    %slice3A = vector.extract_strided_slice %add3A_16 {offsets = [0, 0], sizes = [1024, 128], strides = [1, 1]} : vector<1024x2048xf32> to vector<1024x128xf32>
    %add3A_17 = arith.constant 0 : i32
    %add3A_18 = vector.broadcast %add3A_17 : i32 to vector<1024x128xi32>
    %add3A_19 = arith.addi %add3A_18, %iota3A : vector<1024x128xi32>
    %slice3A_20 = vector.extract_strided_slice %add3A_16 {offsets = [0, 128], sizes = [1024, 128], strides = [1, 1]} : vector<1024x2048xf32> to vector<1024x128xf32>
    %add3A_21 = arith.constant 128 : i32
    %add3A_22 = vector.broadcast %add3A_21 : i32 to vector<1024x128xi32>
    %add3A_23 = arith.addi %add3A_22, %iota3A : vector<1024x128xi32>
    %slice3A_24 = vector.extract_strided_slice %add3A_16 {offsets = [0, 256], sizes = [1024, 128], strides = [1, 1]} : vector<1024x2048xf32> to vector<1024x128xf32>
    %add3A_25 = arith.constant 256 : i32
    %add3A_26 = vector.broadcast %add3A_25 : i32 to vector<1024x128xi32>
    %add3A_27 = arith.addi %add3A_26, %iota3A : vector<1024x128xi32>
    %slice3A_28 = vector.extract_strided_slice %add3A_16 {offsets = [0, 384], sizes = [1024, 128], strides = [1, 1]} : vector<1024x2048xf32> to vector<1024x128xf32>
    %add3A_29 = arith.constant 384 : i32
    %add3A_30 = vector.broadcast %add3A_29 : i32 to vector<1024x128xi32>
    %add3A_31 = arith.addi %add3A_30, %iota3A : vector<1024x128xi32>
    %lt3A = arith.cmpf olt, %slice3A_20, %slice3A : vector<1024x128xf32>
    %min3A = arith.minimumf %slice3A, %slice3A_20 : vector<1024x128xf32>
    %select_n3A = arith.select %lt3A, %add3A_23, %add3A_19 : vector<1024x128xi1>, vector<1024x128xi32>
    %lt3A_32 = arith.cmpf olt, %slice3A_28, %slice3A_24 : vector<1024x128xf32>
    %min3A_33 = arith.minimumf %slice3A_24, %slice3A_28 : vector<1024x128xf32>
    %select_n3A_34 = arith.select %lt3A_32, %add3A_31, %add3A_27 : vector<1024x128xi1>, vector<1024x128xi32>
    %lt3A_35 = arith.cmpf olt, %min3A_33, %min3A : vector<1024x128xf32>
    %min3A_36 = arith.minimumf %min3A, %min3A_33 : vector<1024x128xf32>
    %select_n3A_37 = arith.select %lt3A_35, %select_n3A_34, %select_n3A : vector<1024x128xi1>, vector<1024x128xi32>
    %slice3A_38 = vector.extract_strided_slice %add3A_16 {offsets = [0, 512], sizes = [1024, 128], strides = [1, 1]} : vector<1024x2048xf32> to vector<1024x128xf32>
    %add3A_39 = arith.constant 512 : i32
    %add3A_40 = vector.broadcast %add3A_39 : i32 to vector<1024x128xi32>
    %add3A_41 = arith.addi %add3A_40, %iota3A : vector<1024x128xi32>
    %slice3A_42 = vector.extract_strided_slice %add3A_16 {offsets = [0, 640], sizes = [1024, 128], strides = [1, 1]} : vector<1024x2048xf32> to vector<1024x128xf32>
    %add3A_43 = arith.constant 640 : i32
    %add3A_44 = vector.broadcast %add3A_43 : i32 to vector<1024x128xi32>
    %add3A_45 = arith.addi %add3A_44, %iota3A : vector<1024x128xi32>
    %slice3A_46 = vector.extract_strided_slice %add3A_16 {offsets = [0, 768], sizes = [1024, 128], strides = [1, 1]} : vector<1024x2048xf32> to vector<1024x128xf32>
    %add3A_47 = arith.constant 768 : i32
    %add3A_48 = vector.broadcast %add3A_47 : i32 to vector<1024x128xi32>
    %add3A_49 = arith.addi %add3A_48, %iota3A : vector<1024x128xi32>
    %slice3A_50 = vector.extract_strided_slice %add3A_16 {offsets = [0, 896], sizes = [1024, 128], strides = [1, 1]} : vector<1024x2048xf32> to vector<1024x128xf32>
    %add3A_51 = arith.constant 896 : i32
    %add3A_52 = vector.broadcast %add3A_51 : i32 to vector<1024x128xi32>
    %add3A_53 = arith.addi %add3A_52, %iota3A : vector<1024x128xi32>
    %lt3A_54 = arith.cmpf olt, %slice3A_42, %slice3A_38 : vector<1024x128xf32>
    %min3A_55 = arith.minimumf %slice3A_38, %slice3A_42 : vector<1024x128xf32>
    %select_n3A_56 = arith.select %lt3A_54, %add3A_45, %add3A_41 : vector<1024x128xi1>, vector<1024x128xi32>
    %lt3A_57 = arith.cmpf olt, %slice3A_50, %slice3A_46 : vector<1024x128xf32>
    %min3A_58 = arith.minimumf %slice3A_46, %slice3A_50 : vector<1024x128xf32>
    %select_n3A_59 = arith.select %lt3A_57, %add3A_53, %add3A_49 : vector<1024x128xi1>, vector<1024x128xi32>
    %lt3A_60 = arith.cmpf olt, %min3A_58, %min3A_55 : vector<1024x128xf32>
    %min3A_61 = arith.minimumf %min3A_55, %min3A_58 : vector<1024x128xf32>
    %select_n3A_62 = arith.select %lt3A_60, %select_n3A_59, %select_n3A_56 : vector<1024x128xi1>, vector<1024x128xi32>
    %lt3A_63 = arith.cmpf olt, %min3A_61, %min3A_36 : vector<1024x128xf32>
    %min3A_64 = arith.minimumf %min3A_36, %min3A_61 : vector<1024x128xf32>
    %select_n3A_65 = arith.select %lt3A_63, %select_n3A_62, %select_n3A_37 : vector<1024x128xi1>, vector<1024x128xi32>
    %slice3A_66 = vector.extract_strided_slice %add3A_16 {offsets = [0, 1024], sizes = [1024, 128], strides = [1, 1]} : vector<1024x2048xf32> to vector<1024x128xf32>
    %add3A_67 = arith.constant 1024 : i32
    %add3A_68 = vector.broadcast %add3A_67 : i32 to vector<1024x128xi32>
    %add3A_69 = arith.addi %add3A_68, %iota3A : vector<1024x128xi32>
    %slice3A_70 = vector.extract_strided_slice %add3A_16 {offsets = [0, 1152], sizes = [1024, 128], strides = [1, 1]} : vector<1024x2048xf32> to vector<1024x128xf32>
    %add3A_71 = arith.constant 1152 : i32
    %add3A_72 = vector.broadcast %add3A_71 : i32 to vector<1024x128xi32>
    %add3A_73 = arith.addi %add3A_72, %iota3A : vector<1024x128xi32>
    %slice3A_74 = vector.extract_strided_slice %add3A_16 {offsets = [0, 1280], sizes = [1024, 128], strides = [1, 1]} : vector<1024x2048xf32> to vector<1024x128xf32>
    %add3A_75 = arith.constant 1280 : i32
    %add3A_76 = vector.broadcast %add3A_75 : i32 to vector<1024x128xi32>
    %add3A_77 = arith.addi %add3A_76, %iota3A : vector<1024x128xi32>
    %slice3A_78 = vector.extract_strided_slice %add3A_16 {offsets = [0, 1408], sizes = [1024, 128], strides = [1, 1]} : vector<1024x2048xf32> to vector<1024x128xf32>
    %add3A_79 = arith.constant 1408 : i32
    %add3A_80 = vector.broadcast %add3A_79 : i32 to vector<1024x128xi32>
    %add3A_81 = arith.addi %add3A_80, %iota3A : vector<1024x128xi32>
    %lt3A_82 = arith.cmpf olt, %slice3A_70, %slice3A_66 : vector<1024x128xf32>
    %min3A_83 = arith.minimumf %slice3A_66, %slice3A_70 : vector<1024x128xf32>
    %select_n3A_84 = arith.select %lt3A_82, %add3A_73, %add3A_69 : vector<1024x128xi1>, vector<1024x128xi32>
    %lt3A_85 = arith.cmpf olt, %slice3A_78, %slice3A_74 : vector<1024x128xf32>
    %min3A_86 = arith.minimumf %slice3A_74, %slice3A_78 : vector<1024x128xf32>
    %select_n3A_87 = arith.select %lt3A_85, %add3A_81, %add3A_77 : vector<1024x128xi1>, vector<1024x128xi32>
    %lt3A_88 = arith.cmpf olt, %min3A_86, %min3A_83 : vector<1024x128xf32>
    %min3A_89 = arith.minimumf %min3A_83, %min3A_86 : vector<1024x128xf32>
    %select_n3A_90 = arith.select %lt3A_88, %select_n3A_87, %select_n3A_84 : vector<1024x128xi1>, vector<1024x128xi32>
    %lt3A_91 = arith.cmpf olt, %min3A_89, %min3A_64 : vector<1024x128xf32>
    %min3A_92 = arith.minimumf %min3A_64, %min3A_89 : vector<1024x128xf32>
    %select_n3A_93 = arith.select %lt3A_91, %select_n3A_90, %select_n3A_65 : vector<1024x128xi1>, vector<1024x128xi32>
    %slice3A_94 = vector.extract_strided_slice %add3A_16 {offsets = [0, 1536], sizes = [1024, 128], strides = [1, 1]} : vector<1024x2048xf32> to vector<1024x128xf32>
    %add3A_95 = arith.constant 1536 : i32
    %add3A_96 = vector.broadcast %add3A_95 : i32 to vector<1024x128xi32>
    %add3A_97 = arith.addi %add3A_96, %iota3A : vector<1024x128xi32>
    %slice3A_98 = vector.extract_strided_slice %add3A_16 {offsets = [0, 1664], sizes = [1024, 128], strides = [1, 1]} : vector<1024x2048xf32> to vector<1024x128xf32>
    %add3A_99 = arith.constant 1664 : i32
    %add3A_100 = vector.broadcast %add3A_99 : i32 to vector<1024x128xi32>
    %add3A_101 = arith.addi %add3A_100, %iota3A : vector<1024x128xi32>
    %slice3A_102 = vector.extract_strided_slice %add3A_16 {offsets = [0, 1792], sizes = [1024, 128], strides = [1, 1]} : vector<1024x2048xf32> to vector<1024x128xf32>
    %add3A_103 = arith.constant 1792 : i32
    %add3A_104 = vector.broadcast %add3A_103 : i32 to vector<1024x128xi32>
    %add3A_105 = arith.addi %add3A_104, %iota3A : vector<1024x128xi32>
    %slice3A_106 = vector.extract_strided_slice %add3A_16 {offsets = [0, 1920], sizes = [1024, 128], strides = [1, 1]} : vector<1024x2048xf32> to vector<1024x128xf32>
    %add3A_107 = arith.constant 1920 : i32
    %add3A_108 = vector.broadcast %add3A_107 : i32 to vector<1024x128xi32>
    %add3A_109 = arith.addi %add3A_108, %iota3A : vector<1024x128xi32>
    %lt3A_110 = arith.cmpf olt, %slice3A_98, %slice3A_94 : vector<1024x128xf32>
    %min3A_111 = arith.minimumf %slice3A_94, %slice3A_98 : vector<1024x128xf32>
    %select_n3A_112 = arith.select %lt3A_110, %add3A_101, %add3A_97 : vector<1024x128xi1>, vector<1024x128xi32>
    %lt3A_113 = arith.cmpf olt, %slice3A_106, %slice3A_102 : vector<1024x128xf32>
    %min3A_114 = arith.minimumf %slice3A_102, %slice3A_106 : vector<1024x128xf32>
    %select_n3A_115 = arith.select %lt3A_113, %add3A_109, %add3A_105 : vector<1024x128xi1>, vector<1024x128xi32>
    %lt3A_116 = arith.cmpf olt, %min3A_114, %min3A_111 : vector<1024x128xf32>
    %min3A_117 = arith.minimumf %min3A_111, %min3A_114 : vector<1024x128xf32>
    %select_n3A_118 = arith.select %lt3A_116, %select_n3A_115, %select_n3A_112 : vector<1024x128xi1>, vector<1024x128xi32>
    %lt3A_119 = arith.cmpf olt, %min3A_117, %min3A_92 : vector<1024x128xf32>
    %min3A_120 = arith.minimumf %min3A_92, %min3A_117 : vector<1024x128xf32>
    %select_n3A_121 = arith.select %lt3A_119, %select_n3A_118, %select_n3A_93 : vector<1024x128xi1>, vector<1024x128xi32>
    %get3A_122 = arith.constant 2048 : index
    %get3A_123 = arith.constant 0 : index
    %get3A_124 = vector.load %arg3[%get3A_122, %get3A_123] : memref<8192x64xf32, #tpu.memory_space<vmem>>, vector<2048x64xf32>
    %get3A_125 = arith.constant 0 : index
    %get3A_126 = arith.constant 2048 : index
    %get3A_127 = vector.load %arg4[%get3A_125, %get3A_126] : memref<1x8192xf32, #tpu.memory_space<vmem>>, vector<1x2048xf32>
    %dot_general3A_128 = arith.constant dense<0.000000e+00> : vector<1024x2048xf32>
    %dot_general3A_129 = tpu.matmul %mul3A_3, %get3A_124, %dot_general3A_128 {dimension_numbers = #tpu.dot_dimension_numbers<[1], [1], [0], [0], [0, 0, 1, 0], [], []>, transpose_lhs_hint = false} : vector<1024x64xf32>, vector<2048x64xf32>, vector<1024x2048xf32> -> vector<1024x2048xf32>
    %add3A_130 = vector.broadcast %get3A_6 : vector<1024x1xf32> to vector<1024x2048xf32>
    %add3A_131 = vector.broadcast %get3A_127 : vector<1x2048xf32> to vector<1024x2048xf32>
    %add3A_132 = arith.addf %add3A_130, %add3A_131 : vector<1024x2048xf32>
    %add3A_133 = arith.addf %add3A_132, %dot_general3A_129 : vector<1024x2048xf32>
    %slice3A_134 = vector.extract_strided_slice %add3A_133 {offsets = [0, 0], sizes = [1024, 128], strides = [1, 1]} : vector<1024x2048xf32> to vector<1024x128xf32>
    %add3A_135 = arith.constant 2048 : i32
    %add3A_136 = vector.broadcast %add3A_135 : i32 to vector<1024x128xi32>
    %add3A_137 = arith.addi %add3A_136, %iota3A : vector<1024x128xi32>
    %slice3A_138 = vector.extract_strided_slice %add3A_133 {offsets = [0, 128], sizes = [1024, 128], strides = [1, 1]} : vector<1024x2048xf32> to vector<1024x128xf32>
    %add3A_139 = arith.constant 2176 : i32
    %add3A_140 = vector.broadcast %add3A_139 : i32 to vector<1024x128xi32>
    %add3A_141 = arith.addi %add3A_140, %iota3A : vector<1024x128xi32>
    %slice3A_142 = vector.extract_strided_slice %add3A_133 {offsets = [0, 256], sizes = [1024, 128], strides = [1, 1]} : vector<1024x2048xf32> to vector<1024x128xf32>
    %add3A_143 = arith.constant 2304 : i32
    %add3A_144 = vector.broadcast %add3A_143 : i32 to vector<1024x128xi32>
    %add3A_145 = arith.addi %add3A_144, %iota3A : vector<1024x128xi32>
    %slice3A_146 = vector.extract_strided_slice %add3A_133 {offsets = [0, 384], sizes = [1024, 128], strides = [1, 1]} : vector<1024x2048xf32> to vector<1024x128xf32>
    %add3A_147 = arith.constant 2432 : i32
    %add3A_148 = vector.broadcast %add3A_147 : i32 to vector<1024x128xi32>
    %add3A_149 = arith.addi %add3A_148, %iota3A : vector<1024x128xi32>
    %lt3A_150 = arith.cmpf olt, %slice3A_138, %slice3A_134 : vector<1024x128xf32>
    %min3A_151 = arith.minimumf %slice3A_134, %slice3A_138 : vector<1024x128xf32>
    %select_n3A_152 = arith.select %lt3A_150, %add3A_141, %add3A_137 : vector<1024x128xi1>, vector<1024x128xi32>
    %lt3A_153 = arith.cmpf olt, %slice3A_146, %slice3A_142 : vector<1024x128xf32>
    %min3A_154 = arith.minimumf %slice3A_142, %slice3A_146 : vector<1024x128xf32>
    %select_n3A_155 = arith.select %lt3A_153, %add3A_149, %add3A_145 : vector<1024x128xi1>, vector<1024x128xi32>
    %lt3A_156 = arith.cmpf olt, %min3A_154, %min3A_151 : vector<1024x128xf32>
    %min3A_157 = arith.minimumf %min3A_151, %min3A_154 : vector<1024x128xf32>
    %select_n3A_158 = arith.select %lt3A_156, %select_n3A_155, %select_n3A_152 : vector<1024x128xi1>, vector<1024x128xi32>
    %lt3A_159 = arith.cmpf olt, %min3A_157, %min3A_120 : vector<1024x128xf32>
    %min3A_160 = arith.minimumf %min3A_120, %min3A_157 : vector<1024x128xf32>
    %select_n3A_161 = arith.select %lt3A_159, %select_n3A_158, %select_n3A_121 : vector<1024x128xi1>, vector<1024x128xi32>
    %slice3A_162 = vector.extract_strided_slice %add3A_133 {offsets = [0, 512], sizes = [1024, 128], strides = [1, 1]} : vector<1024x2048xf32> to vector<1024x128xf32>
    %add3A_163 = arith.constant 2560 : i32
    %add3A_164 = vector.broadcast %add3A_163 : i32 to vector<1024x128xi32>
    %add3A_165 = arith.addi %add3A_164, %iota3A : vector<1024x128xi32>
    %slice3A_166 = vector.extract_strided_slice %add3A_133 {offsets = [0, 640], sizes = [1024, 128], strides = [1, 1]} : vector<1024x2048xf32> to vector<1024x128xf32>
    %add3A_167 = arith.constant 2688 : i32
    %add3A_168 = vector.broadcast %add3A_167 : i32 to vector<1024x128xi32>
    %add3A_169 = arith.addi %add3A_168, %iota3A : vector<1024x128xi32>
    %slice3A_170 = vector.extract_strided_slice %add3A_133 {offsets = [0, 768], sizes = [1024, 128], strides = [1, 1]} : vector<1024x2048xf32> to vector<1024x128xf32>
    %add3A_171 = arith.constant 2816 : i32
    %add3A_172 = vector.broadcast %add3A_171 : i32 to vector<1024x128xi32>
    %add3A_173 = arith.addi %add3A_172, %iota3A : vector<1024x128xi32>
    %slice3A_174 = vector.extract_strided_slice %add3A_133 {offsets = [0, 896], sizes = [1024, 128], strides = [1, 1]} : vector<1024x2048xf32> to vector<1024x128xf32>
    %add3A_175 = arith.constant 2944 : i32
    %add3A_176 = vector.broadcast %add3A_175 : i32 to vector<1024x128xi32>
    %add3A_177 = arith.addi %add3A_176, %iota3A : vector<1024x128xi32>
    %lt3A_178 = arith.cmpf olt, %slice3A_166, %slice3A_162 : vector<1024x128xf32>
    %min3A_179 = arith.minimumf %slice3A_162, %slice3A_166 : vector<1024x128xf32>
    %select_n3A_180 = arith.select %lt3A_178, %add3A_169, %add3A_165 : vector<1024x128xi1>, vector<1024x128xi32>
    %lt3A_181 = arith.cmpf olt, %slice3A_174, %slice3A_170 : vector<1024x128xf32>
    %min3A_182 = arith.minimumf %slice3A_170, %slice3A_174 : vector<1024x128xf32>
    %select_n3A_183 = arith.select %lt3A_181, %add3A_177, %add3A_173 : vector<1024x128xi1>, vector<1024x128xi32>
    %lt3A_184 = arith.cmpf olt, %min3A_182, %min3A_179 : vector<1024x128xf32>
    %min3A_185 = arith.minimumf %min3A_179, %min3A_182 : vector<1024x128xf32>
    %select_n3A_186 = arith.select %lt3A_184, %select_n3A_183, %select_n3A_180 : vector<1024x128xi1>, vector<1024x128xi32>
    %lt3A_187 = arith.cmpf olt, %min3A_185, %min3A_160 : vector<1024x128xf32>
    %min3A_188 = arith.minimumf %min3A_160, %min3A_185 : vector<1024x128xf32>
    %select_n3A_189 = arith.select %lt3A_187, %select_n3A_186, %select_n3A_161 : vector<1024x128xi1>, vector<1024x128xi32>
    %slice3A_190 = vector.extract_strided_slice %add3A_133 {offsets = [0, 1024], sizes = [1024, 128], strides = [1, 1]} : vector<1024x2048xf32> to vector<1024x128xf32>
    %add3A_191 = arith.constant 3072 : i32
    %add3A_192 = vector.broadcast %add3A_191 : i32 to vector<1024x128xi32>
    %add3A_193 = arith.addi %add3A_192, %iota3A : vector<1024x128xi32>
    %slice3A_194 = vector.extract_strided_slice %add3A_133 {offsets = [0, 1152], sizes = [1024, 128], strides = [1, 1]} : vector<1024x2048xf32> to vector<1024x128xf32>
    %add3A_195 = arith.constant 3200 : i32
    %add3A_196 = vector.broadcast %add3A_195 : i32 to vector<1024x128xi32>
    %add3A_197 = arith.addi %add3A_196, %iota3A : vector<1024x128xi32>
    %slice3A_198 = vector.extract_strided_slice %add3A_133 {offsets = [0, 1280], sizes = [1024, 128], strides = [1, 1]} : vector<1024x2048xf32> to vector<1024x128xf32>
    %add3A_199 = arith.constant 3328 : i32
    %add3A_200 = vector.broadcast %add3A_199 : i32 to vector<1024x128xi32>
    %add3A_201 = arith.addi %add3A_200, %iota3A : vector<1024x128xi32>
    %slice3A_202 = vector.extract_strided_slice %add3A_133 {offsets = [0, 1408], sizes = [1024, 128], strides = [1, 1]} : vector<1024x2048xf32> to vector<1024x128xf32>
    %add3A_203 = arith.constant 3456 : i32
    %add3A_204 = vector.broadcast %add3A_203 : i32 to vector<1024x128xi32>
    %add3A_205 = arith.addi %add3A_204, %iota3A : vector<1024x128xi32>
    %lt3A_206 = arith.cmpf olt, %slice3A_194, %slice3A_190 : vector<1024x128xf32>
    %min3A_207 = arith.minimumf %slice3A_190, %slice3A_194 : vector<1024x128xf32>
    %select_n3A_208 = arith.select %lt3A_206, %add3A_197, %add3A_193 : vector<1024x128xi1>, vector<1024x128xi32>
    %lt3A_209 = arith.cmpf olt, %slice3A_202, %slice3A_198 : vector<1024x128xf32>
    %min3A_210 = arith.minimumf %slice3A_198, %slice3A_202 : vector<1024x128xf32>
    %select_n3A_211 = arith.select %lt3A_209, %add3A_205, %add3A_201 : vector<1024x128xi1>, vector<1024x128xi32>
    %lt3A_212 = arith.cmpf olt, %min3A_210, %min3A_207 : vector<1024x128xf32>
    %min3A_213 = arith.minimumf %min3A_207, %min3A_210 : vector<1024x128xf32>
    %select_n3A_214 = arith.select %lt3A_212, %select_n3A_211, %select_n3A_208 : vector<1024x128xi1>, vector<1024x128xi32>
    %lt3A_215 = arith.cmpf olt, %min3A_213, %min3A_188 : vector<1024x128xf32>
    %min3A_216 = arith.minimumf %min3A_188, %min3A_213 : vector<1024x128xf32>
    %select_n3A_217 = arith.select %lt3A_215, %select_n3A_214, %select_n3A_189 : vector<1024x128xi1>, vector<1024x128xi32>
    %slice3A_218 = vector.extract_strided_slice %add3A_133 {offsets = [0, 1536], sizes = [1024, 128], strides = [1, 1]} : vector<1024x2048xf32> to vector<1024x128xf32>
    %add3A_219 = arith.constant 3584 : i32
    %add3A_220 = vector.broadcast %add3A_219 : i32 to vector<1024x128xi32>
    %add3A_221 = arith.addi %add3A_220, %iota3A : vector<1024x128xi32>
    %slice3A_222 = vector.extract_strided_slice %add3A_133 {offsets = [0, 1664], sizes = [1024, 128], strides = [1, 1]} : vector<1024x2048xf32> to vector<1024x128xf32>
    %add3A_223 = arith.constant 3712 : i32
    %add3A_224 = vector.broadcast %add3A_223 : i32 to vector<1024x128xi32>
    %add3A_225 = arith.addi %add3A_224, %iota3A : vector<1024x128xi32>
    %slice3A_226 = vector.extract_strided_slice %add3A_133 {offsets = [0, 1792], sizes = [1024, 128], strides = [1, 1]} : vector<1024x2048xf32> to vector<1024x128xf32>
    %add3A_227 = arith.constant 3840 : i32
    %add3A_228 = vector.broadcast %add3A_227 : i32 to vector<1024x128xi32>
    %add3A_229 = arith.addi %add3A_228, %iota3A : vector<1024x128xi32>
    %slice3A_230 = vector.extract_strided_slice %add3A_133 {offsets = [0, 1920], sizes = [1024, 128], strides = [1, 1]} : vector<1024x2048xf32> to vector<1024x128xf32>
    %add3A_231 = arith.constant 3968 : i32
    %add3A_232 = vector.broadcast %add3A_231 : i32 to vector<1024x128xi32>
    %add3A_233 = arith.addi %add3A_232, %iota3A : vector<1024x128xi32>
    %lt3A_234 = arith.cmpf olt, %slice3A_222, %slice3A_218 : vector<1024x128xf32>
    %min3A_235 = arith.minimumf %slice3A_218, %slice3A_222 : vector<1024x128xf32>
    %select_n3A_236 = arith.select %lt3A_234, %add3A_225, %add3A_221 : vector<1024x128xi1>, vector<1024x128xi32>
    %lt3A_237 = arith.cmpf olt, %slice3A_230, %slice3A_226 : vector<1024x128xf32>
    %min3A_238 = arith.minimumf %slice3A_226, %slice3A_230 : vector<1024x128xf32>
    %select_n3A_239 = arith.select %lt3A_237, %add3A_233, %add3A_229 : vector<1024x128xi1>, vector<1024x128xi32>
    %lt3A_240 = arith.cmpf olt, %min3A_238, %min3A_235 : vector<1024x128xf32>
    %min3A_241 = arith.minimumf %min3A_235, %min3A_238 : vector<1024x128xf32>
    %select_n3A_242 = arith.select %lt3A_240, %select_n3A_239, %select_n3A_236 : vector<1024x128xi1>, vector<1024x128xi32>
    %lt3A_243 = arith.cmpf olt, %min3A_241, %min3A_216 : vector<1024x128xf32>
    %min3A_244 = arith.minimumf %min3A_216, %min3A_241 : vector<1024x128xf32>
    %select_n3A_245 = arith.select %lt3A_243, %select_n3A_242, %select_n3A_217 : vector<1024x128xi1>, vector<1024x128xi32>
    %get3A_246 = arith.constant 4096 : index
    %get3A_247 = arith.constant 0 : index
    %get3A_248 = vector.load %arg3[%get3A_246, %get3A_247] : memref<8192x64xf32, #tpu.memory_space<vmem>>, vector<2048x64xf32>
    %get3A_249 = arith.constant 0 : index
    %get3A_250 = arith.constant 4096 : index
    %get3A_251 = vector.load %arg4[%get3A_249, %get3A_250] : memref<1x8192xf32, #tpu.memory_space<vmem>>, vector<1x2048xf32>
    %dot_general3A_252 = arith.constant dense<0.000000e+00> : vector<1024x2048xf32>
    %dot_general3A_253 = tpu.matmul %mul3A_3, %get3A_248, %dot_general3A_252 {dimension_numbers = #tpu.dot_dimension_numbers<[1], [1], [0], [0], [0, 0, 1, 0], [], []>, transpose_lhs_hint = false} : vector<1024x64xf32>, vector<2048x64xf32>, vector<1024x2048xf32> -> vector<1024x2048xf32>
    %add3A_254 = vector.broadcast %get3A_6 : vector<1024x1xf32> to vector<1024x2048xf32>
    %add3A_255 = vector.broadcast %get3A_251 : vector<1x2048xf32> to vector<1024x2048xf32>
    %add3A_256 = arith.addf %add3A_254, %add3A_255 : vector<1024x2048xf32>
    %add3A_257 = arith.addf %add3A_256, %dot_general3A_253 : vector<1024x2048xf32>
    %slice3A_258 = vector.extract_strided_slice %add3A_257 {offsets = [0, 0], sizes = [1024, 128], strides = [1, 1]} : vector<1024x2048xf32> to vector<1024x128xf32>
    %add3A_259 = arith.constant 4096 : i32
    %add3A_260 = vector.broadcast %add3A_259 : i32 to vector<1024x128xi32>
    %add3A_261 = arith.addi %add3A_260, %iota3A : vector<1024x128xi32>
    %slice3A_262 = vector.extract_strided_slice %add3A_257 {offsets = [0, 128], sizes = [1024, 128], strides = [1, 1]} : vector<1024x2048xf32> to vector<1024x128xf32>
    %add3A_263 = arith.constant 4224 : i32
    %add3A_264 = vector.broadcast %add3A_263 : i32 to vector<1024x128xi32>
    %add3A_265 = arith.addi %add3A_264, %iota3A : vector<1024x128xi32>
    %slice3A_266 = vector.extract_strided_slice %add3A_257 {offsets = [0, 256], sizes = [1024, 128], strides = [1, 1]} : vector<1024x2048xf32> to vector<1024x128xf32>
    %add3A_267 = arith.constant 4352 : i32
    %add3A_268 = vector.broadcast %add3A_267 : i32 to vector<1024x128xi32>
    %add3A_269 = arith.addi %add3A_268, %iota3A : vector<1024x128xi32>
    %slice3A_270 = vector.extract_strided_slice %add3A_257 {offsets = [0, 384], sizes = [1024, 128], strides = [1, 1]} : vector<1024x2048xf32> to vector<1024x128xf32>
    %add3A_271 = arith.constant 4480 : i32
    %add3A_272 = vector.broadcast %add3A_271 : i32 to vector<1024x128xi32>
    %add3A_273 = arith.addi %add3A_272, %iota3A : vector<1024x128xi32>
    %lt3A_274 = arith.cmpf olt, %slice3A_262, %slice3A_258 : vector<1024x128xf32>
    %min3A_275 = arith.minimumf %slice3A_258, %slice3A_262 : vector<1024x128xf32>
    %select_n3A_276 = arith.select %lt3A_274, %add3A_265, %add3A_261 : vector<1024x128xi1>, vector<1024x128xi32>
    %lt3A_277 = arith.cmpf olt, %slice3A_270, %slice3A_266 : vector<1024x128xf32>
    %min3A_278 = arith.minimumf %slice3A_266, %slice3A_270 : vector<1024x128xf32>
    %select_n3A_279 = arith.select %lt3A_277, %add3A_273, %add3A_269 : vector<1024x128xi1>, vector<1024x128xi32>
    %lt3A_280 = arith.cmpf olt, %min3A_278, %min3A_275 : vector<1024x128xf32>
    %min3A_281 = arith.minimumf %min3A_275, %min3A_278 : vector<1024x128xf32>
    %select_n3A_282 = arith.select %lt3A_280, %select_n3A_279, %select_n3A_276 : vector<1024x128xi1>, vector<1024x128xi32>
    %lt3A_283 = arith.cmpf olt, %min3A_281, %min3A_244 : vector<1024x128xf32>
    %min3A_284 = arith.minimumf %min3A_244, %min3A_281 : vector<1024x128xf32>
    %select_n3A_285 = arith.select %lt3A_283, %select_n3A_282, %select_n3A_245 : vector<1024x128xi1>, vector<1024x128xi32>
    %slice3A_286 = vector.extract_strided_slice %add3A_257 {offsets = [0, 512], sizes = [1024, 128], strides = [1, 1]} : vector<1024x2048xf32> to vector<1024x128xf32>
    %add3A_287 = arith.constant 4608 : i32
    %add3A_288 = vector.broadcast %add3A_287 : i32 to vector<1024x128xi32>
    %add3A_289 = arith.addi %add3A_288, %iota3A : vector<1024x128xi32>
    %slice3A_290 = vector.extract_strided_slice %add3A_257 {offsets = [0, 640], sizes = [1024, 128], strides = [1, 1]} : vector<1024x2048xf32> to vector<1024x128xf32>
    %add3A_291 = arith.constant 4736 : i32
    %add3A_292 = vector.broadcast %add3A_291 : i32 to vector<1024x128xi32>
    %add3A_293 = arith.addi %add3A_292, %iota3A : vector<1024x128xi32>
    %slice3A_294 = vector.extract_strided_slice %add3A_257 {offsets = [0, 768], sizes = [1024, 128], strides = [1, 1]} : vector<1024x2048xf32> to vector<1024x128xf32>
    %add3A_295 = arith.constant 4864 : i32
    %add3A_296 = vector.broadcast %add3A_295 : i32 to vector<1024x128xi32>
    %add3A_297 = arith.addi %add3A_296, %iota3A : vector<1024x128xi32>
    %slice3A_298 = vector.extract_strided_slice %add3A_257 {offsets = [0, 896], sizes = [1024, 128], strides = [1, 1]} : vector<1024x2048xf32> to vector<1024x128xf32>
    %add3A_299 = arith.constant 4992 : i32
    %add3A_300 = vector.broadcast %add3A_299 : i32 to vector<1024x128xi32>
    %add3A_301 = arith.addi %add3A_300, %iota3A : vector<1024x128xi32>
    %lt3A_302 = arith.cmpf olt, %slice3A_290, %slice3A_286 : vector<1024x128xf32>
    %min3A_303 = arith.minimumf %slice3A_286, %slice3A_290 : vector<1024x128xf32>
    %select_n3A_304 = arith.select %lt3A_302, %add3A_293, %add3A_289 : vector<1024x128xi1>, vector<1024x128xi32>
    %lt3A_305 = arith.cmpf olt, %slice3A_298, %slice3A_294 : vector<1024x128xf32>
    %min3A_306 = arith.minimumf %slice3A_294, %slice3A_298 : vector<1024x128xf32>
    %select_n3A_307 = arith.select %lt3A_305, %add3A_301, %add3A_297 : vector<1024x128xi1>, vector<1024x128xi32>
    %lt3A_308 = arith.cmpf olt, %min3A_306, %min3A_303 : vector<1024x128xf32>
    %min3A_309 = arith.minimumf %min3A_303, %min3A_306 : vector<1024x128xf32>
    %select_n3A_310 = arith.select %lt3A_308, %select_n3A_307, %select_n3A_304 : vector<1024x128xi1>, vector<1024x128xi32>
    %lt3A_311 = arith.cmpf olt, %min3A_309, %min3A_284 : vector<1024x128xf32>
    %min3A_312 = arith.minimumf %min3A_284, %min3A_309 : vector<1024x128xf32>
    %select_n3A_313 = arith.select %lt3A_311, %select_n3A_310, %select_n3A_285 : vector<1024x128xi1>, vector<1024x128xi32>
    %slice3A_314 = vector.extract_strided_slice %add3A_257 {offsets = [0, 1024], sizes = [1024, 128], strides = [1, 1]} : vector<1024x2048xf32> to vector<1024x128xf32>
    %add3A_315 = arith.constant 5120 : i32
    %add3A_316 = vector.broadcast %add3A_315 : i32 to vector<1024x128xi32>
    %add3A_317 = arith.addi %add3A_316, %iota3A : vector<1024x128xi32>
    %slice3A_318 = vector.extract_strided_slice %add3A_257 {offsets = [0, 1152], sizes = [1024, 128], strides = [1, 1]} : vector<1024x2048xf32> to vector<1024x128xf32>
    %add3A_319 = arith.constant 5248 : i32
    %add3A_320 = vector.broadcast %add3A_319 : i32 to vector<1024x128xi32>
    %add3A_321 = arith.addi %add3A_320, %iota3A : vector<1024x128xi32>
    %slice3A_322 = vector.extract_strided_slice %add3A_257 {offsets = [0, 1280], sizes = [1024, 128], strides = [1, 1]} : vector<1024x2048xf32> to vector<1024x128xf32>
    %add3A_323 = arith.constant 5376 : i32
    %add3A_324 = vector.broadcast %add3A_323 : i32 to vector<1024x128xi32>
    %add3A_325 = arith.addi %add3A_324, %iota3A : vector<1024x128xi32>
    %slice3A_326 = vector.extract_strided_slice %add3A_257 {offsets = [0, 1408], sizes = [1024, 128], strides = [1, 1]} : vector<1024x2048xf32> to vector<1024x128xf32>
    %add3A_327 = arith.constant 5504 : i32
    %add3A_328 = vector.broadcast %add3A_327 : i32 to vector<1024x128xi32>
    %add3A_329 = arith.addi %add3A_328, %iota3A : vector<1024x128xi32>
    %lt3A_330 = arith.cmpf olt, %slice3A_318, %slice3A_314 : vector<1024x128xf32>
    %min3A_331 = arith.minimumf %slice3A_314, %slice3A_318 : vector<1024x128xf32>
    %select_n3A_332 = arith.select %lt3A_330, %add3A_321, %add3A_317 : vector<1024x128xi1>, vector<1024x128xi32>
    %lt3A_333 = arith.cmpf olt, %slice3A_326, %slice3A_322 : vector<1024x128xf32>
    %min3A_334 = arith.minimumf %slice3A_322, %slice3A_326 : vector<1024x128xf32>
    %select_n3A_335 = arith.select %lt3A_333, %add3A_329, %add3A_325 : vector<1024x128xi1>, vector<1024x128xi32>
    %lt3A_336 = arith.cmpf olt, %min3A_334, %min3A_331 : vector<1024x128xf32>
    %min3A_337 = arith.minimumf %min3A_331, %min3A_334 : vector<1024x128xf32>
    %select_n3A_338 = arith.select %lt3A_336, %select_n3A_335, %select_n3A_332 : vector<1024x128xi1>, vector<1024x128xi32>
    %lt3A_339 = arith.cmpf olt, %min3A_337, %min3A_312 : vector<1024x128xf32>
    %min3A_340 = arith.minimumf %min3A_312, %min3A_337 : vector<1024x128xf32>
    %select_n3A_341 = arith.select %lt3A_339, %select_n3A_338, %select_n3A_313 : vector<1024x128xi1>, vector<1024x128xi32>
    %slice3A_342 = vector.extract_strided_slice %add3A_257 {offsets = [0, 1536], sizes = [1024, 128], strides = [1, 1]} : vector<1024x2048xf32> to vector<1024x128xf32>
    %add3A_343 = arith.constant 5632 : i32
    %add3A_344 = vector.broadcast %add3A_343 : i32 to vector<1024x128xi32>
    %add3A_345 = arith.addi %add3A_344, %iota3A : vector<1024x128xi32>
    %slice3A_346 = vector.extract_strided_slice %add3A_257 {offsets = [0, 1664], sizes = [1024, 128], strides = [1, 1]} : vector<1024x2048xf32> to vector<1024x128xf32>
    %add3A_347 = arith.constant 5760 : i32
    %add3A_348 = vector.broadcast %add3A_347 : i32 to vector<1024x128xi32>
    %add3A_349 = arith.addi %add3A_348, %iota3A : vector<1024x128xi32>
    %slice3A_350 = vector.extract_strided_slice %add3A_257 {offsets = [0, 1792], sizes = [1024, 128], strides = [1, 1]} : vector<1024x2048xf32> to vector<1024x128xf32>
    %add3A_351 = arith.constant 5888 : i32
    %add3A_352 = vector.broadcast %add3A_351 : i32 to vector<1024x128xi32>
    %add3A_353 = arith.addi %add3A_352, %iota3A : vector<1024x128xi32>
    %slice3A_354 = vector.extract_strided_slice %add3A_257 {offsets = [0, 1920], sizes = [1024, 128], strides = [1, 1]} : vector<1024x2048xf32> to vector<1024x128xf32>
    %add3A_355 = arith.constant 6016 : i32
    %add3A_356 = vector.broadcast %add3A_355 : i32 to vector<1024x128xi32>
    %add3A_357 = arith.addi %add3A_356, %iota3A : vector<1024x128xi32>
    %lt3A_358 = arith.cmpf olt, %slice3A_346, %slice3A_342 : vector<1024x128xf32>
    %min3A_359 = arith.minimumf %slice3A_342, %slice3A_346 : vector<1024x128xf32>
    %select_n3A_360 = arith.select %lt3A_358, %add3A_349, %add3A_345 : vector<1024x128xi1>, vector<1024x128xi32>
    %lt3A_361 = arith.cmpf olt, %slice3A_354, %slice3A_350 : vector<1024x128xf32>
    %min3A_362 = arith.minimumf %slice3A_350, %slice3A_354 : vector<1024x128xf32>
    %select_n3A_363 = arith.select %lt3A_361, %add3A_357, %add3A_353 : vector<1024x128xi1>, vector<1024x128xi32>
    %lt3A_364 = arith.cmpf olt, %min3A_362, %min3A_359 : vector<1024x128xf32>
    %min3A_365 = arith.minimumf %min3A_359, %min3A_362 : vector<1024x128xf32>
    %select_n3A_366 = arith.select %lt3A_364, %select_n3A_363, %select_n3A_360 : vector<1024x128xi1>, vector<1024x128xi32>
    %lt3A_367 = arith.cmpf olt, %min3A_365, %min3A_340 : vector<1024x128xf32>
    %min3A_368 = arith.minimumf %min3A_340, %min3A_365 : vector<1024x128xf32>
    %select_n3A_369 = arith.select %lt3A_367, %select_n3A_366, %select_n3A_341 : vector<1024x128xi1>, vector<1024x128xi32>
    %get3A_370 = arith.constant 6144 : index
    %get3A_371 = arith.constant 0 : index
    %get3A_372 = vector.load %arg3[%get3A_370, %get3A_371] : memref<8192x64xf32, #tpu.memory_space<vmem>>, vector<2048x64xf32>
    %get3A_373 = arith.constant 0 : index
    %get3A_374 = arith.constant 6144 : index
    %get3A_375 = vector.load %arg4[%get3A_373, %get3A_374] : memref<1x8192xf32, #tpu.memory_space<vmem>>, vector<1x2048xf32>
    %dot_general3A_376 = arith.constant dense<0.000000e+00> : vector<1024x2048xf32>
    %dot_general3A_377 = tpu.matmul %mul3A_3, %get3A_372, %dot_general3A_376 {dimension_numbers = #tpu.dot_dimension_numbers<[1], [1], [0], [0], [0, 0, 1, 0], [], []>, transpose_lhs_hint = false} : vector<1024x64xf32>, vector<2048x64xf32>, vector<1024x2048xf32> -> vector<1024x2048xf32>
    %add3A_378 = vector.broadcast %get3A_6 : vector<1024x1xf32> to vector<1024x2048xf32>
    %add3A_379 = vector.broadcast %get3A_375 : vector<1x2048xf32> to vector<1024x2048xf32>
    %add3A_380 = arith.addf %add3A_378, %add3A_379 : vector<1024x2048xf32>
    %add3A_381 = arith.addf %add3A_380, %dot_general3A_377 : vector<1024x2048xf32>
    %slice3A_382 = vector.extract_strided_slice %add3A_381 {offsets = [0, 0], sizes = [1024, 128], strides = [1, 1]} : vector<1024x2048xf32> to vector<1024x128xf32>
    %add3A_383 = arith.constant 6144 : i32
    %add3A_384 = vector.broadcast %add3A_383 : i32 to vector<1024x128xi32>
    %add3A_385 = arith.addi %add3A_384, %iota3A : vector<1024x128xi32>
    %slice3A_386 = vector.extract_strided_slice %add3A_381 {offsets = [0, 128], sizes = [1024, 128], strides = [1, 1]} : vector<1024x2048xf32> to vector<1024x128xf32>
    %add3A_387 = arith.constant 6272 : i32
    %add3A_388 = vector.broadcast %add3A_387 : i32 to vector<1024x128xi32>
    %add3A_389 = arith.addi %add3A_388, %iota3A : vector<1024x128xi32>
    %slice3A_390 = vector.extract_strided_slice %add3A_381 {offsets = [0, 256], sizes = [1024, 128], strides = [1, 1]} : vector<1024x2048xf32> to vector<1024x128xf32>
    %add3A_391 = arith.constant 6400 : i32
    %add3A_392 = vector.broadcast %add3A_391 : i32 to vector<1024x128xi32>
    %add3A_393 = arith.addi %add3A_392, %iota3A : vector<1024x128xi32>
    %slice3A_394 = vector.extract_strided_slice %add3A_381 {offsets = [0, 384], sizes = [1024, 128], strides = [1, 1]} : vector<1024x2048xf32> to vector<1024x128xf32>
    %add3A_395 = arith.constant 6528 : i32
    %add3A_396 = vector.broadcast %add3A_395 : i32 to vector<1024x128xi32>
    %add3A_397 = arith.addi %add3A_396, %iota3A : vector<1024x128xi32>
    %lt3A_398 = arith.cmpf olt, %slice3A_386, %slice3A_382 : vector<1024x128xf32>
    %min3A_399 = arith.minimumf %slice3A_382, %slice3A_386 : vector<1024x128xf32>
    %select_n3A_400 = arith.select %lt3A_398, %add3A_389, %add3A_385 : vector<1024x128xi1>, vector<1024x128xi32>
    %lt3A_401 = arith.cmpf olt, %slice3A_394, %slice3A_390 : vector<1024x128xf32>
    %min3A_402 = arith.minimumf %slice3A_390, %slice3A_394 : vector<1024x128xf32>
    %select_n3A_403 = arith.select %lt3A_401, %add3A_397, %add3A_393 : vector<1024x128xi1>, vector<1024x128xi32>
    %lt3A_404 = arith.cmpf olt, %min3A_402, %min3A_399 : vector<1024x128xf32>
    %min3A_405 = arith.minimumf %min3A_399, %min3A_402 : vector<1024x128xf32>
    %select_n3A_406 = arith.select %lt3A_404, %select_n3A_403, %select_n3A_400 : vector<1024x128xi1>, vector<1024x128xi32>
    %lt3A_407 = arith.cmpf olt, %min3A_405, %min3A_368 : vector<1024x128xf32>
    %min3A_408 = arith.minimumf %min3A_368, %min3A_405 : vector<1024x128xf32>
    %select_n3A_409 = arith.select %lt3A_407, %select_n3A_406, %select_n3A_369 : vector<1024x128xi1>, vector<1024x128xi32>
    %slice3A_410 = vector.extract_strided_slice %add3A_381 {offsets = [0, 512], sizes = [1024, 128], strides = [1, 1]} : vector<1024x2048xf32> to vector<1024x128xf32>
    %add3A_411 = arith.constant 6656 : i32
    %add3A_412 = vector.broadcast %add3A_411 : i32 to vector<1024x128xi32>
    %add3A_413 = arith.addi %add3A_412, %iota3A : vector<1024x128xi32>
    %slice3A_414 = vector.extract_strided_slice %add3A_381 {offsets = [0, 640], sizes = [1024, 128], strides = [1, 1]} : vector<1024x2048xf32> to vector<1024x128xf32>
    %add3A_415 = arith.constant 6784 : i32
    %add3A_416 = vector.broadcast %add3A_415 : i32 to vector<1024x128xi32>
    %add3A_417 = arith.addi %add3A_416, %iota3A : vector<1024x128xi32>
    %slice3A_418 = vector.extract_strided_slice %add3A_381 {offsets = [0, 768], sizes = [1024, 128], strides = [1, 1]} : vector<1024x2048xf32> to vector<1024x128xf32>
    %add3A_419 = arith.constant 6912 : i32
    %add3A_420 = vector.broadcast %add3A_419 : i32 to vector<1024x128xi32>
    %add3A_421 = arith.addi %add3A_420, %iota3A : vector<1024x128xi32>
    %slice3A_422 = vector.extract_strided_slice %add3A_381 {offsets = [0, 896], sizes = [1024, 128], strides = [1, 1]} : vector<1024x2048xf32> to vector<1024x128xf32>
    %add3A_423 = arith.constant 7040 : i32
    %add3A_424 = vector.broadcast %add3A_423 : i32 to vector<1024x128xi32>
    %add3A_425 = arith.addi %add3A_424, %iota3A : vector<1024x128xi32>
    %lt3A_426 = arith.cmpf olt, %slice3A_414, %slice3A_410 : vector<1024x128xf32>
    %min3A_427 = arith.minimumf %slice3A_410, %slice3A_414 : vector<1024x128xf32>
    %select_n3A_428 = arith.select %lt3A_426, %add3A_417, %add3A_413 : vector<1024x128xi1>, vector<1024x128xi32>
    %lt3A_429 = arith.cmpf olt, %slice3A_422, %slice3A_418 : vector<1024x128xf32>
    %min3A_430 = arith.minimumf %slice3A_418, %slice3A_422 : vector<1024x128xf32>
    %select_n3A_431 = arith.select %lt3A_429, %add3A_425, %add3A_421 : vector<1024x128xi1>, vector<1024x128xi32>
    %lt3A_432 = arith.cmpf olt, %min3A_430, %min3A_427 : vector<1024x128xf32>
    %min3A_433 = arith.minimumf %min3A_427, %min3A_430 : vector<1024x128xf32>
    %select_n3A_434 = arith.select %lt3A_432, %select_n3A_431, %select_n3A_428 : vector<1024x128xi1>, vector<1024x128xi32>
    %lt3A_435 = arith.cmpf olt, %min3A_433, %min3A_408 : vector<1024x128xf32>
    %min3A_436 = arith.minimumf %min3A_408, %min3A_433 : vector<1024x128xf32>
    %select_n3A_437 = arith.select %lt3A_435, %select_n3A_434, %select_n3A_409 : vector<1024x128xi1>, vector<1024x128xi32>
    %slice3A_438 = vector.extract_strided_slice %add3A_381 {offsets = [0, 1024], sizes = [1024, 128], strides = [1, 1]} : vector<1024x2048xf32> to vector<1024x128xf32>
    %add3A_439 = arith.constant 7168 : i32
    %add3A_440 = vector.broadcast %add3A_439 : i32 to vector<1024x128xi32>
    %add3A_441 = arith.addi %add3A_440, %iota3A : vector<1024x128xi32>
    %slice3A_442 = vector.extract_strided_slice %add3A_381 {offsets = [0, 1152], sizes = [1024, 128], strides = [1, 1]} : vector<1024x2048xf32> to vector<1024x128xf32>
    %add3A_443 = arith.constant 7296 : i32
    %add3A_444 = vector.broadcast %add3A_443 : i32 to vector<1024x128xi32>
    %add3A_445 = arith.addi %add3A_444, %iota3A : vector<1024x128xi32>
    %slice3A_446 = vector.extract_strided_slice %add3A_381 {offsets = [0, 1280], sizes = [1024, 128], strides = [1, 1]} : vector<1024x2048xf32> to vector<1024x128xf32>
    %add3A_447 = arith.constant 7424 : i32
    %add3A_448 = vector.broadcast %add3A_447 : i32 to vector<1024x128xi32>
    %add3A_449 = arith.addi %add3A_448, %iota3A : vector<1024x128xi32>
    %slice3A_450 = vector.extract_strided_slice %add3A_381 {offsets = [0, 1408], sizes = [1024, 128], strides = [1, 1]} : vector<1024x2048xf32> to vector<1024x128xf32>
    %add3A_451 = arith.constant 7552 : i32
    %add3A_452 = vector.broadcast %add3A_451 : i32 to vector<1024x128xi32>
    %add3A_453 = arith.addi %add3A_452, %iota3A : vector<1024x128xi32>
    %lt3A_454 = arith.cmpf olt, %slice3A_442, %slice3A_438 : vector<1024x128xf32>
    %min3A_455 = arith.minimumf %slice3A_438, %slice3A_442 : vector<1024x128xf32>
    %select_n3A_456 = arith.select %lt3A_454, %add3A_445, %add3A_441 : vector<1024x128xi1>, vector<1024x128xi32>
    %lt3A_457 = arith.cmpf olt, %slice3A_450, %slice3A_446 : vector<1024x128xf32>
    %min3A_458 = arith.minimumf %slice3A_446, %slice3A_450 : vector<1024x128xf32>
    %select_n3A_459 = arith.select %lt3A_457, %add3A_453, %add3A_449 : vector<1024x128xi1>, vector<1024x128xi32>
    %lt3A_460 = arith.cmpf olt, %min3A_458, %min3A_455 : vector<1024x128xf32>
    %min3A_461 = arith.minimumf %min3A_455, %min3A_458 : vector<1024x128xf32>
    %select_n3A_462 = arith.select %lt3A_460, %select_n3A_459, %select_n3A_456 : vector<1024x128xi1>, vector<1024x128xi32>
    %lt3A_463 = arith.cmpf olt, %min3A_461, %min3A_436 : vector<1024x128xf32>
    %min3A_464 = arith.minimumf %min3A_436, %min3A_461 : vector<1024x128xf32>
    %select_n3A_465 = arith.select %lt3A_463, %select_n3A_462, %select_n3A_437 : vector<1024x128xi1>, vector<1024x128xi32>
    %slice3A_466 = vector.extract_strided_slice %add3A_381 {offsets = [0, 1536], sizes = [1024, 128], strides = [1, 1]} : vector<1024x2048xf32> to vector<1024x128xf32>
    %add3A_467 = arith.constant 7680 : i32
    %add3A_468 = vector.broadcast %add3A_467 : i32 to vector<1024x128xi32>
    %add3A_469 = arith.addi %add3A_468, %iota3A : vector<1024x128xi32>
    %slice3A_470 = vector.extract_strided_slice %add3A_381 {offsets = [0, 1664], sizes = [1024, 128], strides = [1, 1]} : vector<1024x2048xf32> to vector<1024x128xf32>
    %add3A_471 = arith.constant 7808 : i32
    %add3A_472 = vector.broadcast %add3A_471 : i32 to vector<1024x128xi32>
    %add3A_473 = arith.addi %add3A_472, %iota3A : vector<1024x128xi32>
    %slice3A_474 = vector.extract_strided_slice %add3A_381 {offsets = [0, 1792], sizes = [1024, 128], strides = [1, 1]} : vector<1024x2048xf32> to vector<1024x128xf32>
    %add3A_475 = arith.constant 7936 : i32
    %add3A_476 = vector.broadcast %add3A_475 : i32 to vector<1024x128xi32>
    %add3A_477 = arith.addi %add3A_476, %iota3A : vector<1024x128xi32>
    %slice3A_478 = vector.extract_strided_slice %add3A_381 {offsets = [0, 1920], sizes = [1024, 128], strides = [1, 1]} : vector<1024x2048xf32> to vector<1024x128xf32>
    %add3A_479 = arith.constant 8064 : i32
    %add3A_480 = vector.broadcast %add3A_479 : i32 to vector<1024x128xi32>
    %add3A_481 = arith.addi %add3A_480, %iota3A : vector<1024x128xi32>
    %lt3A_482 = arith.cmpf olt, %slice3A_470, %slice3A_466 : vector<1024x128xf32>
    %min3A_483 = arith.minimumf %slice3A_466, %slice3A_470 : vector<1024x128xf32>
    %select_n3A_484 = arith.select %lt3A_482, %add3A_473, %add3A_469 : vector<1024x128xi1>, vector<1024x128xi32>
    %lt3A_485 = arith.cmpf olt, %slice3A_478, %slice3A_474 : vector<1024x128xf32>
    %min3A_486 = arith.minimumf %slice3A_474, %slice3A_478 : vector<1024x128xf32>
    %select_n3A_487 = arith.select %lt3A_485, %add3A_481, %add3A_477 : vector<1024x128xi1>, vector<1024x128xi32>
    %lt3A_488 = arith.cmpf olt, %min3A_486, %min3A_483 : vector<1024x128xf32>
    %min3A_489 = arith.minimumf %min3A_483, %min3A_486 : vector<1024x128xf32>
    %select_n3A_490 = arith.select %lt3A_488, %select_n3A_487, %select_n3A_484 : vector<1024x128xi1>, vector<1024x128xi32>
    %lt3A_491 = arith.cmpf olt, %min3A_489, %min3A_464 : vector<1024x128xf32>
    %min3A_492 = arith.minimumf %min3A_464, %min3A_489 : vector<1024x128xf32>
    %select_n3A_493 = arith.select %lt3A_491, %select_n3A_490, %select_n3A_465 : vector<1024x128xi1>, vector<1024x128xi32>
    %reduce_min3A = arith.constant dense<0x7F800000> : vector<1024xf32>
    %reduce_min3A_494 = vector.multi_reduction <minimumf>, %min3A_492, %reduce_min3A [1] : vector<1024x128xf32> to vector<1024xf32>
    %broadcast_in_dim3A = vector.shape_cast %reduce_min3A_494 : vector<1024xf32> to vector<1024x1xf32>
    %eq3A = vector.broadcast %broadcast_in_dim3A : vector<1024x1xf32> to vector<1024x128xf32>
    %eq3A_495 = arith.cmpf oeq, %min3A_492, %eq3A : vector<1024x128xf32>
    %jit3A = arith.constant 1073741824 : i32
    %broadcast_in_dim3A_496 = vector.broadcast %jit3A : i32 to vector<1024x128xi32>
    %select_n3A_497 = arith.select %eq3A_495, %select_n3A_493, %broadcast_in_dim3A_496 : vector<1024x128xi1>, vector<1024x128xi32>
    %reduce_min3A_498 = arith.constant dense<2147483647> : vector<1024xi32>
    %reduce_min3A_499 = vector.multi_reduction <minsi>, %select_n3A_497, %reduce_min3A_498 [1] : vector<1024x128xi32> to vector<1024xi32>
    %swap3A = arith.constant 0 : index
    %swap3A_500 = vector.load %arg5[%swap3A] : memref<1024xi32, #tpu.memory_space<vmem>>, vector<1024xi32>
    tpu.vector_store %arg5[%swap3A], %reduce_min3A_499 {strides = array<i32>} : memref<1024xi32, #tpu.memory_space<vmem>>, vector<1024xi32>,
    return
  }
  func.func @transform_0(%arg0: i32) -> (i32, i32) {
    %c0_i32 = arith.constant 0 : i32
    %c0_i32_0 = arith.constant 0 : i32
    return %arg0, %c0_i32 : i32, i32
  }
  func.func @transform_1(%arg0: i32) -> (i32, i32) {
    %c0_i32 = arith.constant 0 : i32
    %c0_i32_0 = arith.constant 0 : i32
    return %arg0, %c0_i32 : i32, i32
  }
  func.func @transform_2(%arg0: i32) -> (i32, i32) {
    %c0_i32 = arith.constant 0 : i32
    %c0_i32_0 = arith.constant 0 : i32
    %c0_i32_1 = arith.constant 0 : i32
    return %c0_i32, %c0_i32_0 : i32, i32
  }
  func.func @transform_3(%arg0: i32) -> (i32, i32) {
    %c0_i32 = arith.constant 0 : i32
    %c0_i32_0 = arith.constant 0 : i32
    %c0_i32_1 = arith.constant 0 : i32
    return %c0_i32, %c0_i32_0 : i32, i32
  }
  func.func @transform_4(%arg0: i32) -> i32 {
    %c0_i32 = arith.constant 0 : i32
    return %arg0 : i32
  }
}

</mosaic_0001>

<sc_bundles>
// kernel: kernel.4.cloned.1.call-start
scs
__scs_entry_jumppad:
0x0: {  	(pc) =	sbr.rel $0x88, $3  }
0x1: {  	(tag) =	ssettag $0x0;
	lr =	simm.s32 $0x1  }
0x2: {  	[smem:$0x3F9F] =	sst lr;
	_ =	strace $0xD0000000  }
0x3: {  	_ = 	snop  }
0x4: {  	_ = 	snop  }
0x5: {  	_ = 	snop  }
0x6: {  	_ = 	snop  }
0x7: {  	_ = 	snop  }
__scs_overlays_trampoline_lowered:
0x8: {  	[smem:$0x3FAE] =	sst s0  }
0x9: {  	[smem:$0x3FAF] =	sst s1  }
0xa: {  	[smem:$0x3FB0] =	sst s2  }
0xb: {  	[smem:$0x3FB1] =	sst s3  }
0xc: {  	[smem:$0x3FB2] =	sst s4  }
0xd: {  	[smem:$0x3FB3] =	sst s5  }
0xe: {  	[smem:$0x3FB4] =	sst s6  }
0xf: {  	[smem:$0x3FB5] =	sst s7  }
0x10: {  	[smem:$0x3FB6] =	sst s8  }
0x11: {  	[smem:$0x3FB7] =	sst s9;
	s0 =	simm.s32 @!p0 $0x0  }
0x12: {  	s1 =	sld [smem:$0x3F9D];
	s0 =	simm.s32 @p0 $0x1  }
0x13: {  	[smem:$0x3FB8] =	sst s0;
	s0 =	simm.s32 @!p1 $0x0  }
0x14: {  	s2 =	sld [smem:$0x3F9C];
	s0 =	simm.s32 @p1 $0x1  }
0x15: {  	[smem:$0x3FB9] =	sst s0;
	s0 =	simm.s32 @!p2 $0x0  }
0x16: {  	s3 =	sld [smem:$0x3FDB];
	s0 =	simm.s32 @p2 $0x1  }
0x17: {  	s4 =	simm.s32 $0x1BF5;
	[smem:$0x3FBB] =	sst s0  }
0x18: {  	s0 =	sld [smem:$0x3F9E];
	_ =	swait.ge [sflag:s4], $0x0  }
0x19: {  	s7 =	sld [smem:$0x3F9F]  }
0x1a: {  	s8 =	sadd.s32 $0xFFFFE003, lr  }
0x1b: {  	s9 =	sadd.s32 $0xFFFFFEF7, lr;
	s5 =	simm.s32 $0xFFFFFFFF;
	p2 =	slt.u32 s8, $0xFFFFF086  }
0x1c: {  	p1 =	slt.u32 s9, $0xF7A;
	s5 =	simm.s32 @!p2 $0x0  }
0x1d: {  	s5 =	simm.s32 @p1 $0x1;
	p0 =	seq.s32 s7, s2  }
0x1e: {  	s7 =	smul.u32 @!p0 $0xF7A, s2;
	p2 =	seq.s32 @!p0 s5, $0x0  }
0x1f: {  	s9 =	smul.u32 $0xF7A, s1;
	s8 =	simm.s32 @!p0 $0x1BF5;
	p2 =	por !p2, p0  }
0x20: {  	[sflag:s8] =	ssyncset.s32 @!p0 $0xFFFFF086;
	s6 =	sadd.s32 @!p0 s3, s7;
	s7 =	simm.s32 @!p0 $0x108  }
0x21: {  	s3 =	sadd.s32 s3, s9;
	s6 =	sadd.s32 @!p0 $0x88, s6;
	s7 =	simm.s32 @p2 $0x1082  }
0x22: {  	[simem:s7], [sflag:s8] =	dma.local @!p0 [hbm:s6], $0xF7A  }
0x23: {  	s9 =	sor.u32 $0xD0000000, s2;
	s6 =	simm.s32 $0x108;
	_ =	swait.ge @!p0 [sflag:s8], $0x0  }
0x24: {  	s3 =	sadd.s32 $0x88, s3;
	s6 =	simm.s32 @!p1 $0x1082;
	[sflag:s4] =	ssyncset.s32 $0xFFFFF086  }
0x25: {  	[simem:s6], [sflag:s4] =	dma.local [hbm:s3], $0xF7A  }
0x26: {  	[smem:$0x3F9F] =	sst s1;
	(tag) =	ssettag s2;
	_ =	strace s9  }
0x27: {  	s1 =	sld [smem:$0x3FAF]  }
0x28: {  	s2 =	sld [smem:$0x3FB0]  }
0x29: {  	s4 =	sld [smem:$0x3FB2]  }
0x2a: {  	p0 =	seq.s32 s5, $0x0;
	s5 =	sld [smem:$0x3FB3]  }
0x2b: {  	s6 =	sld [smem:$0x3FB4]  }
0x2c: {  	s7 =	sld [smem:$0x3FB5]  }
0x2d: {  	s3 =	simm.s32 $0x108;
	s8 =	sld [smem:$0x3FB6]  }
0x2e: {  	s3 =	simm.s32 @!p0 $0x1082;
	s9 =	sld [smem:$0x3FB7]  }
0x2f: {  	lr =	sadd.s32 s0, s3;
	s0 =	sld [smem:$0x3FAE]  }
0x30: {  	s3 =	sld [smem:$0x3FB1]  }
0x31: {  	[smem:$0x3FBA] =	sst s10  }
0x32: {  	s10 =	sld [smem:$0x3FB8];
	_ =	sdelay $0x3  }
0x33: {  	p0 =	seq.s32 s10, $0x1;
	s10 =	sld [smem:$0x3FBA];
	_ =	sdelay $0x3  }
0x34: {  	[smem:$0x3FBA] =	sst s10  }
0x35: {  	s10 =	sld [smem:$0x3FB9];
	_ =	sdelay $0x3  }
0x36: {  	p1 =	seq.s32 s10, $0x1;
	s10 =	sld [smem:$0x3FBA];
	_ =	sdelay $0x3  }
0x37: {  	[smem:$0x3FBA] =	sst s10  }
0x38: {  	s10 =	sld [smem:$0x3FBB]  }
0x39: {  	_ = 	snop;
	(pc) =	sbr.ind lr, $3  }
0x3a: {  	_ = 	snop  }
0x3b: {  	_ = 	snop  }
0x3c: {  	p2 =	seq.s32 s10, $0x1;
	s10 =	sld [smem:$0x3FBA]  }
0x3d: {  	_ =	shalt  }
0x3e: {  	_ =	shalt  }
0x3f: {  	_ =	shalt  }
0x40: {  	_ =	shalt  }
0x41: {  	_ =	shalt  }
0x42: {  	_ =	shalt  }
0x43: {  	_ =	shalt  }
0x44: {  	_ =	shalt  }
0x45: {  	_ =	shalt  }
0x46: {  	_ =	shalt  }
0x47: {  	_ =	shalt  }
0x48: {  	_ =	shalt  }
0x49: {  	_ =	shalt  }
0x4a: {  	_ =	shalt  }
0x4b: {  	_ =	shalt  }
0x4c: {  	_ =	shalt  }
0x4d: {  	_ =	shalt  }
0x4e: {  	_ =	shalt  }
0x4f: {  	_ =	shalt  }
0x50: {  	_ =	shalt  }
0x51: {  	_ =	shalt  }
0x52: {  	_ =	shalt  }
0x53: {  	_ =	shalt  }
0x54: {  	_ =	shalt  }
0x55: {  	_ =	shalt  }
0x56: {  	_ =	shalt  }
0x57: {  	_ =	shalt  }
0x58: {  	_ =	shalt  }
0x59: {  	_ =	shalt  }
0x5a: {  	_ =	shalt  }
0x5b: {  	_ =	shalt  }
0x5c: {  	_ =	shalt  }
0x5d: {  	_ =	shalt  }
0x5e: {  	_ =	shalt  }
0x5f: {  	_ =	shalt  }
0x60: {  	_ =	shalt  }
0x61: {  	_ =	shalt  }
0x62: {  	_ =	shalt  }
0x63: {  	_ =	shalt  }
0x64: {  	_ =	shalt  }
0x65: {  	_ =	shalt  }
0x66: {  	_ =	shalt  }
0x67: {  	_ =	shalt  }
0x68: {  	_ =	shalt  }
0x69: {  	_ =	shalt  }
0x6a: {  	_ =	shalt  }
0x6b: {  	_ =	shalt  }
0x6c: {  	_ =	shalt  }
0x6d: {  	_ =	shalt  }
0x6e: {  	_ =	shalt  }
0x6f: {  	_ =	shalt  }
0x70: {  	_ =	shalt  }
0x71: {  	_ =	shalt  }
0x72: {  	_ =	shalt  }
0x73: {  	_ =	shalt  }
0x74: {  	_ =	shalt  }
0x75: {  	_ =	shalt  }
0x76: {  	_ =	shalt  }
0x77: {  	_ =	shalt  }
0x78: {  	_ =	shalt  }
0x79: {  	_ =	shalt  }
0x7a: {  	_ =	shalt  }
0x7b: {  	_ =	shalt  }
0x7c: {  	_ =	shalt  }
0x7d: {  	_ =	shalt  }
0x7e: {  	_ =	shalt  }
0x7f: {  	_ =	shalt  }
0x80: {  	_ =	shalt  }
0x81: {  	_ =	shalt  }
0x82: {  	_ =	shalt  }
0x83: {  	_ =	shalt  }
0x84: {  	_ =	shalt  }
0x85: {  	_ =	shalt  }
0x86: {  	_ =	shalt  }
0x87: {  	_ =	shalt  }
.Lfunc_end0:
.L_simem_size_0:
called_computation_lowered:
.L_overlay_start_0:
0x88: {  	s2 =	sld [smem:$0x3FD9]  }
0x89: {  	s3 =	sld [smem:$0x3FFE];
	_ =	sdelay $0x1  }
0x8a: {  	s1 =	srdreg.scid  }
0x8b: {  	s0 =	sand.u32 $0x1, s1  }
0x8c: {  	s17 =	sshll.u32 s0, $0xA;
	s2 =	sadd.s32 s3, s2  }
0x8d: {  	s2 =	sadd.s32 s2, s17  }
0x8e: {  	[smem:$0x3FC6] =	sst s2  }
0x8f: {  	_ = 	snop  }
0x90: {  	s2 =	sld [smem:$0x3FD0];
	(tm) =	ssettm $0x1  }
0x91: {  	s18 =	sld [smem:$0x3FFB];
	_ =	sdelay $0x3  }
0x92: {  	_ =	strace s18  }
0x93: {  	s3 =	sld [smem:$0x3FFC];
	_ =	sdelay $0x3  }
0x94: {  	_ =	strace s3  }
0x95: {  	s3 =	sld [smem:$0x3FFD];
	_ =	sdelay $0x3  }
0x96: {  	_ =	strace s3  }
0x97: {  	_ =	strace $0x8FFFFFFF  }
0x98: {  	s19 =	sld [smem:$0x3FDB];
	_ =	sdelay $0x1  }
0x99: {  	s4 =	simm.s32 $_scs_section_size  }
0x9a: {  	s5 =	simm.s32 $_size__tile_overlayer_lowered;
	s6 =	simm.s32 $_tile_overlayer_lowered  }
0x9b: {  	s22 =	simm.s32 $0x1BFF;
	s21 =	sshll.u32 s6, $0x1;
	s3 =	sadd.s32 s4, s19  }
0x9c: {  	s7 =	simm.s32 $0x0;
	s20 =	sshll.u32 s5, $0x1;
	s5 =	sadd.s32 s21, s3  }
0x9d: {  	[timem:s7], [sflag:s22] =	dma.local [hbm:s5], s20  }
0x9e: {  	_ =	swait.ge [sflag:s22], s20  }
0x9f: {  	s4 =	ssub.s32 $0x0, s20;
	[sflag:s22] =	ssyncset.done $0x0  }
0xa0: {  	[sflag:s22] =	ssyncadd.s32 s4;
	_ =	sdelay $0x1  }
0xa1: {  	s23 =	simm.s32 $0x1B8B  }
0xa2: {  	_ =	swait.ge [sflag:s23], $0x1  }
0xa3: {  	[sflag:s23] =	ssyncset.done $0x0  }
0xa4: {  	s25 =	simm.s32 $0x1B8E;
	s24 =	sld [smem:$0x3FFE];
	[sflag:s23] =	ssyncadd.s32 $0xFFFFFFFF  }
0xa5: {  	s26 =	simm.s32 $execute0_lowered;
	[smem:$0x3FD2] =	sst s25  }
0xa6: {  	s5 =	sshll.u32 s26, $0x1;
	_ =	strace $0x80000046;
	[dreg:$0x1] =	wrdreg $0xFFFFFFFF  }
0xa7: {  	s28 =	simm.s32 $_size_execute0_lowered;
	s3 =	sadd.s32 s3, s5;
	[dreg:$0x0] =	wrdreg $0x0  }
0xa8: {  	s5 =	sshll.u32 s28, $0x1;
	[dreg:$0x2] =	wrdreg s3  }
0xa9: {  	[dreg:$0x3] =	wrdreg s5  }
0xaa: {  	[dreg:$0x4] =	wrdreg $0xC0  }
0xab: {  	_ =	task [dreg:s7], $0x5FFFF  }
0xac: {  	[dreg:$0x1] =	wrdreg $0xFFFFFFFF  }
0xad: {  	[dreg:$0x0] =	wrdreg $0x60  }
0xae: {  	[dreg:$0x2] =	wrdreg s24  }
0xaf: {  	[dreg:$0x3] =	wrdreg s2  }
0xb0: {  	[dreg:$0x4] =	wrdreg $0x9  }
0xb1: {  	_ =	task.clear_ibuf [dreg:s7], $0x5FFFF;
	_ =	strace $0x90000046  }
0xb2: {  	s29 =	simm.s32 $0x9;
	_ =	strace $0x80000048  }
0xb3: {  	_ =	swait.ge [sflag:s29], $0x1  }
0xb4: {  	[sflag:s29] =	ssyncadd.s32 $0xFFFFFFFF  }
0xb5: {  	_ =	strace $0x90000048  }
0xb6: {  	_ =	sfence  }
0xb7: {  	s30 =	sld [smem:$0x0];
	_ =	sdelay $0x2  }
0xb8: {  	s31 =	sshll.u32 s1, $0xD;
	s1 =	sshrl.u32 s1, $0x2  }
0xb9: {  	s3 =	sand.u32 $0x4000, s31;
	s1 =	sadd.s32 s1, s30  }
0xba: {  	s0 =	sor.u32 s3, s0;
	s1 =	sshll.u32 s1, $0x11  }
0xbb: {  	s0 =	sor.u32 s1, s0  }
0xbc: {  	s0 =	sadd.s32 $0x8F2B, s0  }
0xbd: {  	[sflag:s0] =	ssyncadd.remote.s32 $0x1  }
0xbe: {  	_ =	sfence.sel $0xFFFF  }
0xbf: {  	[dreg:$0x0] =	wrdreg $0xFFFFFFFF;
	(pc) =	sbr.abs _section_cstart, $3  }
0xc0: {  	[dreg:$0x1] =	wrdreg $0xFFFFFFFF  }
0xc1: {  	_ =	task.clear_ibuf [dreg:s7], $0x2FFFF;
	_ =	strace $0x9FFFFFFF  }
0xc2: {  	(tm) =	ssettm $0x7FFFFFFF  }
0xc3: {  	_ =	shalt  }
tec
execute0_lowered:
.L_overlay_start_1:
0x0: {  	(tag) =	ssettag $0x1  }
0x1: {  	s1 =	srdreg.scid;
	s0 =	stileid.u32  }
0x2: {  	s2 =	rddreg [dreg:$0x0];
	s12 =	sand.u32 $0x1, s1;
	s29 =	sshll.u32 s0, $0x1  }
0x3: {  	s4 =	rddreg [dreg:$0x1];
	s13 =	sor.u32 s12, s29  }
0x4: {  	s3 =	simm.s32 $0x0;
	s1 =	rddreg [dreg:$0x2];
	s5 =	smul.u32 $0x24, s13  }
0x5: {  	[smem:$0x7FF] =	sst s3  }
0x6: {  	_ =	strace $0x80000047;
	s5 =	sadd.s32 s4, s5;
	s4 =	simm.s32 $0x2  }
0x7: {  	[tilespmem:s3], [sflag:$0x2] =	stream.linear.gather [hbm4b:s5+s3], $0x120, $0x38;
	[tilespmem:$0x9180] =	vst v63  }
0x8: {  	_ =	swait.ge [sflag:s4], $0x120  }
0x9: {  	[sflag:s4] =	ssyncset.done $0x0  }
0xa: {  	s6 =	simm.s32 $0x60;
	s7 =	simm.s32 $0x180;
	[sflag:s4] =	ssyncadd.s32 $0xFFFFFEE0  }
0xb: {  	[tilespmem:s7], [sflag:$0x1] =	stream.indirect.gather [hbm4b:s2+s6], $0x80, s3, s6, $0xb8;
	[tilespmem:$0x9180] =	vst v63  }
0xc: {  	s8 =	simm.s32 $0x3180  }
0xd: {  	[tilespmem:s8], [sflag:$0x1] =	stream.indirect.gather [hbm4b:s2+s6], $0x80, s6, s6, $0xb8;
	[tilespmem:$0x9180] =	vst v63  }
0xe: {  	s9 =	simm.s32 $0xC0;
	s10 =	simm.s32 $0x6180;
	s11 =	simm.s32 $0x1  }
0xf: {  	[tilespmem:s10], [sflag:$0x1] =	stream.indirect.gather [hbm4b:s2+s6], $0x80, s9, s6, $0xb8;
	[tilespmem:$0x9180] =	vst v63  }
0x10: {  	_ =	swait.ge [sflag:s11], $0x3000  }
0x11: {  	[sflag:s11] =	ssyncset.done $0x0  }
0x12: {  	s12 =	ssub.s32 $0x2, s12;
	[sflag:s11] =	ssyncadd.s32 $0xFFFFD000  }
0x13: {  	s14 =	sshrl.u32 s12, $0x1;
	_ =	swait.ge [sflag:s11], $0x3000  }
0x14: {  	s14 =	ssub.s32 s12, s14;
	[sflag:s11] =	ssyncset.done $0x0  }
0x15: {  	s13 =	smul.u32 $0x1200, s13;
	s31 =	smax.u32 s14, $0x1;
	[sflag:s11] =	ssyncadd.s32 $0xFFFFD000  }
0x16: {  	p0 =	sne.s32 s31, $0x1;
	_ =	swait.ge [sflag:s11], $0x3000  }
.Ltmp0:
0x17: {  	s30 =	sadd.s32 s13, s2;
	[sflag:s11] =	ssyncset.done $0x0;
	(pc) =	sbr.rel @!p0 .LBB2_2-.Ltmp0, $4  }
0x18: {  	s12 =	sadd.s32 $0x20000, s30;
	[sflag:s11] =	ssyncadd.s32 $0xFFFFD000  }
0x19: {  	[hbm4b:s12+s3] =	stream.linear.scatter [tilespmem:s7], [sflag:$0x2], $0x9000, $0x38;
	[tilespmem:$0x9180] =	vst v63  }
0x1a: {  	_ =	swait.ge [sflag:s4], $0x9000  }
0x1b: {  	s13 =	sadd.s32 $0xFFFFFFFF, s31;
	[sflag:s4] =	ssyncset.done $0x0  }
.LBB2_1:
0x1c: {  	p0 =	sne.s32 s13, $0x1;
	s13 =	sadd.s32 $0xFFFFFFFF, s13;
	[sflag:s4] =	ssyncadd.s32 $0xFFFF7000  }
0x1d: {  	[tilespmem:s3], [sflag:$0x2] =	stream.linear.gather [hbm4b:s5+s3], $0x120, $0x38;
	[tilespmem:$0x9180] =	vst v63  }
0x1e: {  	_ =	swait.ge [sflag:s4], $0x120  }
0x1f: {  	[sflag:s4] =	ssyncset.done $0x0  }
0x20: {  	[sflag:s4] =	ssyncadd.s32 $0xFFFFFEE0  }
0x21: {  	[tilespmem:s7], [sflag:$0x1] =	stream.indirect.gather [hbm4b:s2+s6], $0x80, s3, s6, $0xb8;
	[tilespmem:$0x9180] =	vst v63  }
0x22: {  	_ = 	snop  }
0x23: {  	[tilespmem:s8], [sflag:$0x1] =	stream.indirect.gather [hbm4b:s2+s6], $0x80, s6, s6, $0xb8;
	[tilespmem:$0x9180] =	vst v63  }
0x24: {  	_ = 	snop  }
0x25: {  	[tilespmem:s10], [sflag:$0x1] =	stream.indirect.gather [hbm4b:s2+s6], $0x80, s9, s6, $0xb8;
	[tilespmem:$0x9180] =	vst v63  }
0x26: {  	_ =	swait.ge [sflag:s11], $0x3000  }
0x27: {  	[sflag:s11] =	ssyncset.done $0x0  }
0x28: {  	[sflag:s11] =	ssyncadd.s32 $0xFFFFD000  }
0x29: {  	_ =	swait.ge [sflag:s11], $0x3000  }
0x2a: {  	[sflag:s11] =	ssyncset.done $0x0  }
0x2b: {  	[sflag:s11] =	ssyncadd.s32 $0xFFFFD000  }
0x2c: {  	_ =	swait.ge [sflag:s11], $0x3000  }
.Ltmp1:
0x2d: {  	[sflag:s11] =	ssyncset.done $0x0;
	(pc) =	sbr.rel @p0 .LBB2_1-.Ltmp1, $4  }
0x2e: {  	[sflag:s11] =	ssyncadd.s32 $0xFFFFD000  }
0x2f: {  	[hbm4b:s12+s3] =	stream.linear.scatter [tilespmem:s7], [sflag:$0x2], $0x9000, $0x38;
	[tilespmem:$0x9180] =	vst v63  }
0x30: {  	_ =	swait.ge [sflag:s4], $0x9000  }
0x31: {  	[sflag:s4] =	ssyncset.done $0x0  }
.LBB2_2:
0x32: {  	[sflag:s4] =	ssyncadd.s32 $0xFFFF7000  }
0x33: {  	_ =	sfence.sel $0x180000  }
0x34: {  	[bflag:$0x0] =	sbarrier.arrive $0xFFFF  }
0x35: {  	p0 =	sne.s32 s0, $0x0;
	_ =	strace $0x90000047  }
0x36: {  	s0 =	sadd.s32 @!p0 $0x100000, s1;
	[bflag:$0x2] =	sbarrier.arrive $0xFFFF  }
0x37: {  	[sflag:s0] =	ssyncadd.tile.s32 @!p0 $0x1;
	_ =	shalt  }
.Lfunc_end2:
_tile_overlayer_lowered:
.L_overlay_start_2:
0x38: {  	(tag) =	ssettag $0x2  }
0x39: {  	s0 =	rddreg [dreg:$0x0];
	s2 =	stileid.u32  }
0x3a: {  	s1 =	rddreg [dreg:$0x1];
	p0 =	sne.s32 s2, $0x0  }
0x3b: {  	s3 =	rddreg [dreg:$0x2];
	[bflag:$0x3] =	sbarrier.arrive $0xFFFF;
	s2 =	simm.s32 @!p0 $0x1C02  }
0x3c: {  	[timem:s3], [sflag:s2] =	dma.local @!p0 [hbm:s0], s1  }
0x3d: {  	s0 =	simm.s32 @!p0 $0x2  }
0x3e: {  	_ =	swait.ge @!p0 [sflag:s0], s1  }
0x3f: {  	s1 =	ssub.s32 @!p0 $0x0, s1;
	[sflag:s0] =	ssyncset.done @!p0 $0x0  }
0x40: {  	[sflag:s0] =	ssyncadd.s32 @!p0 s1  }
0x41: {  	[bflag:$0x3] =	sbarrier.arrive $0xFFFF  }
0x42: {  	_ =	shalt  }

</sc_bundles>
